<compile_context>
chip_gen: v7x
topology: tpu7x:2x2x1
jax: 0.10.2.dev20260603
libtpu: 0.0.44.dev20260713+nightly
codegen_flags: <defaults>
</compile_context>

<pallas_src>
import functools

import jax
import jax.numpy as jnp
from jax import lax
from jax.experimental import pallas as pl
from jax.experimental.pallas import tpu as pltpu
from jax.experimental.pallas import tpu_sc as plsc

_N = 10000
_E = 320000
_D = 128
_H = 32
_G = 64
_C = 2

_NTILES = 32
_CH = 128
_KCH = 80
_EPT = _KCH * _CH
_EPAD = _NTILES * _EPT
_NPAD = 10112
_RPT = _NPAD // 16


def _segment_sum_sc(p, src3, dst3, zeros):
  mesh = plsc.VectorSubcoreMesh(core_axis_name="c", subcore_axis_name="s")

  @functools.partial(
      pl.kernel,
      mesh=mesh,
      compiler_params=pltpu.CompilerParams(use_tc_tiling_on_sc=False),
      out_type=jax.ShapeDtypeStruct((2, _NPAD, _H), jnp.float32),
      scratch_types=[
          pltpu.VMEM((_KCH, _CH), jnp.int32),
          pltpu.VMEM((_KCH, _CH), jnp.int32),
          pltpu.VMEM((_CH, _H), jnp.float32),
          pltpu.VMEM((_CH, _H), jnp.float32),
          pltpu.VMEM_SHARED((_NPAD, _H), jnp.float32),
          pltpu.SemaphoreType.DMA,
          pltpu.SemaphoreType.DMA,
      ],
  )
  def seg(p_hbm, src_hbm, dst_hbm, z_hbm, out_hbm,
          src_v, dst_v, rows0, rows1, acc, sem0, sem1):
    c = lax.axis_index("c")
    s = lax.axis_index("s")
    wid = c * 16 + s

    pltpu.sync_copy(z_hbm.at[pl.ds(s * _RPT, _RPT)],
                    acc.at[pl.ds(s * _RPT, _RPT)])
    pltpu.sync_copy(src_hbm.at[wid], src_v)
    pltpu.sync_copy(dst_hbm.at[wid], dst_v)
    plsc.subcore_barrier()

    def body(t, carry):
      j0 = 2 * t
      a = pltpu.async_copy(p_hbm.at[src_v.at[j0]], rows0, sem0)
      b = pltpu.async_copy(p_hbm.at[src_v.at[j0 + 1]], rows1, sem1)
      a.wait()
      pltpu.sync_copy(rows0, acc.at[dst_v.at[j0]], add=True)
      b.wait()
      pltpu.sync_copy(rows1, acc.at[dst_v.at[j0 + 1]], add=True)
      return carry

    lax.fori_loop(0, _KCH // 2, body, 0)
    plsc.subcore_barrier()
    pltpu.sync_copy(acc.at[pl.ds(s * _RPT, _RPT)],
                    out_hbm.at[c, pl.ds(s * _RPT, _RPT)])

  return seg(p, src3, dst3, zeros)


def _stage0_body(x_ref, wr_ref, wo_ref, b_ref, p_ref, r_ref):
  x = x_ref[...]
  p_ref[...] = jnp.dot(x, wr_ref[...], preferred_element_type=jnp.float32)
  r_ref[...] = (jnp.dot(x, wo_ref[...], preferred_element_type=jnp.float32)
                + b_ref[...])


def _stage_mid_body(s_ref, r_ref, wr_ref, wo_ref, b_ref, p_ref, rn_ref):
  z = s_ref[0, :_N, :] + s_ref[1, :_N, :] + r_ref[...]
  h = jnp.where(z > 0, z, jnp.exp(z) - 1.0)
  p_ref[...] = jnp.dot(h, wr_ref[...], preferred_element_type=jnp.float32)
  rn_ref[...] = (jnp.dot(h, wo_ref[...], preferred_element_type=jnp.float32)
                 + b_ref[...])


def _stage_fin_body(s_ref, r_ref, bf_ref, wl_ref, bl_ref, out_ref):
  z = s_ref[0, :_N, :] + s_ref[1, :_N, :] + r_ref[...]
  h = jnp.where(z > 0, z, jnp.exp(z) - 1.0)
  gids = lax.broadcasted_iota(jnp.int32, (_G, _N), 0).astype(jnp.float32)
  onehot = (gids == bf_ref[...]).astype(jnp.float32)
  sums = jnp.dot(onehot, h, preferred_element_type=jnp.float32)
  counts = jnp.sum(onehot, axis=1, keepdims=True)
  pooled = sums / jnp.maximum(counts, 1.0)
  logits = (jnp.dot(pooled, wl_ref[...], preferred_element_type=jnp.float32)
            + bl_ref[...])
  m = jnp.max(logits, axis=1, keepdims=True)
  e = jnp.exp(logits - m)
  out_ref[...] = (logits - m) - jnp.log(jnp.sum(e, axis=1, keepdims=True))


def _sds(shape):
  return jax.ShapeDtypeStruct(shape, jnp.float32)


def kernel(x, edge_attr, W1_rel, b1_rel, W1_root, b1_root, W2_rel, b2_rel,
           W2_root, b2_root, W3_rel, b3_rel, W3_root, b3_root, W_lin, b_lin,
           edge_index, batch):
  del edge_attr
  f32 = jnp.float32
  pad = _EPAD - _E
  src3 = jnp.concatenate(
      [edge_index[0], jnp.zeros((pad,), jnp.int32)]).reshape(_NTILES, _KCH, _CH)
  dst3 = jnp.concatenate(
      [edge_index[1], jnp.full((pad,), _N, jnp.int32)]).reshape(_NTILES, _KCH, _CH)
  zeros = jnp.zeros((_NPAD, _H), f32)
  b1 = (b1_rel + b1_root).reshape(1, _H)
  b2 = (b2_rel + b2_root).reshape(1, _H)
  b3 = (b3_rel + b3_root).reshape(1, _H)
  batch_f = batch.astype(f32).reshape(1, _N)

  p1, r1 = pl.pallas_call(
      _stage0_body, out_shape=[_sds((_N, _H)), _sds((_N, _H))],
  )(x, W1_rel, W1_root, b1)
  s1 = _segment_sum_sc(p1, src3, dst3, zeros)

  p2, r2 = pl.pallas_call(
      _stage_mid_body, out_shape=[_sds((_N, _H)), _sds((_N, _H))],
  )(s1, r1, W2_rel, W2_root, b2)
  s2 = _segment_sum_sc(p2, src3, dst3, zeros)

  p3, r3 = pl.pallas_call(
      _stage_mid_body, out_shape=[_sds((_N, _H)), _sds((_N, _H))],
  )(s2, r2, W3_rel, W3_root, b3)
  s3 = _segment_sum_sc(p3, src3, dst3, zeros)

  out = pl.pallas_call(
      _stage_fin_body, out_shape=_sds((_G, _C)),
  )(s3, r3, batch_f, W_lin, b_lin.reshape(1, _C))
  return out

# --- scband reference (transcript-rebuilt; emitter-appended) ---
"""Pipeline reference for scband-gcn-12661563588776 (READ-ONLY COPY).

The authoritative reference and input builder live on the scoring server;
editing this copy changes nothing except your own understanding.
"""

import jax, jax.numpy as jnp
import numpy as np

N = 10000
E = 320000
D = 128
H = 32
C = 2
G = 64


def setup_inputs(seed: int = 0) -> dict:
    key = jax.random.key(seed)
    ks = jax.random.split(key, 24)
    x = jax.random.normal(ks[0], (N, D), dtype=jnp.float32)
    edge_index = jax.random.randint(ks[1], (2, E), 0, N, dtype=jnp.int32)
    edge_attr = jax.random.normal(ks[2], (E, 4), dtype=jnp.float32)
    batch = jnp.sort(jax.random.randint(ks[3], (N,), 0, G, dtype=jnp.int32))
    def lin(k, fan_in, fan_out):
        s = 1.0 / np.sqrt(fan_in)
        return jax.random.uniform(k, (fan_in, fan_out), dtype=jnp.float32, minval=-s, maxval=s)
    inp = {
        "x": x,
        "edge_attr": edge_attr,
        "W1_rel": lin(ks[4], D, H), "b1_rel": jnp.zeros((H,), jnp.float32),
        "W1_root": lin(ks[5], D, H), "b1_root": jnp.zeros((H,), jnp.float32),
        "W2_rel": lin(ks[6], H, H), "b2_rel": jnp.zeros((H,), jnp.float32),
        "W2_root": lin(ks[7], H, H), "b2_root": jnp.zeros((H,), jnp.float32),
        "W3_rel": lin(ks[8], H, H), "b3_rel": jnp.zeros((H,), jnp.float32),
        "W3_root": lin(ks[9], H, H), "b3_root": jnp.zeros((H,), jnp.float32),
        "W_lin": lin(ks[10], H, C), "b_lin": jnp.zeros((C,), jnp.float32),
        "edge_index": edge_index,
        "batch": batch,
    }
    return inp


def reference(x, edge_attr, W1_rel, b1_rel, W1_root, b1_root, W2_rel, b2_rel, W2_root, b2_root, W3_rel, b3_rel, W3_root, b3_root, W_lin, b_lin, edge_index, batch):
    # eval mode: dropout is identity
    src = edge_index[0]
    dst = edge_index[1]

    def graph_conv(h, Wr, br, Wo, bo):
        # GraphConv (PyG): out = lin_rel(sum_{j in N(i)} x_j) + lin_root(x_i)
        msg = h[src]                                   # gather (SparseCore)
        agg = jax.ops.segment_sum(msg, dst, num_segments=N)  # scatter-add
        return agg @ Wr + br + h @ Wo + bo

    h = jax.nn.elu(graph_conv(x, W1_rel, b1_rel, W1_root, b1_root))
    h = jax.nn.elu(graph_conv(h, W2_rel, b2_rel, W2_root, b2_root))
    h = jax.nn.elu(graph_conv(h, W3_rel, b3_rel, W3_root, b3_root))

    # global_mean_pool over batch ids
    sums = jax.ops.segment_sum(h, batch, num_segments=G)
    counts = jax.ops.segment_sum(jnp.ones((N,), jnp.float32), batch, num_segments=G)
    pooled = sums / jnp.maximum(counts, 1.0)[:, None]

    logits = pooled @ W_lin + b_lin
    return jax.nn.log_softmax(logits, axis=1)

if __name__ == "__main__":
    import jax
    _d = setup_inputs()
    print(jax.jit(kernel)(*tuple(_d.values())))

</pallas_src>

<mosaic_0001>
#map = affine_map<(d0, d1) -> (0, 0)>
#map1 = affine_map<(d0, d1) -> (0, 0, 0)>
module attributes {stable_mosaic.version = 14 : i64} {
  func.func @seg(%arg0: i32, %arg1: i32, %arg2: memref<10000x32xf32, #tpu.memory_space<hbm>>, %arg3: memref<32x80x128xi32, #tpu.memory_space<hbm>>, %arg4: memref<32x80x128xi32, #tpu.memory_space<hbm>>, %arg5: memref<10112x32xf32, #tpu.memory_space<hbm>>, %arg6: memref<2x10112x32xf32, #tpu.memory_space<hbm>>, %arg7: memref<80x128xi32, #tpu.memory_space<vmem>>, %arg8: memref<80x128xi32, #tpu.memory_space<vmem>>, %arg9: memref<128x32xf32, #tpu.memory_space<vmem>>, %arg10: memref<128x32xf32, #tpu.memory_space<vmem>>, %arg11: memref<10112x32xf32, #tpu.memory_space<vmem_shared>>, %arg12: memref<!tpu.dma_semaphore, #tpu.memory_space<semaphore_mem>>, %arg13: memref<!tpu.dma_semaphore, #tpu.memory_space<semaphore_mem>>) attributes {dimension_semantics = [#tpu.dimension_semantics<core_parallel>, #tpu.dimension_semantics<subcore_parallel>], iteration_bounds = array<i64: 2, 16>, scalar_prefetch = 0 : i64, scratch_operands = 7 : i64, tpu.core_type = #tpu.core_type<sc_vector_subcore>, window_params = [{transform_indices = #map}, {transform_indices = #map1}, {transform_indices = #map1}, {transform_indices = #map}, {transform_indices = #map1}]} {
    %mul3A = arith.constant 16 : i32
    %mul3A_0 = arith.muli %arg0, %mul3A : i32
    %add3A = arith.addi %mul3A_0, %arg1 : i32
    %mul3A_1 = arith.constant 632 : i32
    %mul3A_2 = arith.muli %arg1, %mul3A_1 : i32
    %mul3A_3 = arith.constant 632 : i32
    %mul3A_4 = arith.muli %arg1, %mul3A_3 : i32
    "tpu.region"() ({
      %run_scoped3A = tpu.sem_alloc : memref<!tpu.dma_semaphore, #tpu.memory_space<semaphore_mem>>
      %dma_start3A = arith.constant 0 : i32
      %dma_start3A_15 = tpu.memref_slice %arg11[%mul3A_4, %dma_start3A] : memref<10112x32xf32, #tpu.memory_space<vmem_shared>> -> memref<632x32xf32, #tpu.memory_space<vmem_shared>>
      %dma_start3A_16 = arith.constant 0 : i32
      %dma_start3A_17 = tpu.memref_slice %arg5[%mul3A_2, %dma_start3A_16] : memref<10112x32xf32, #tpu.memory_space<hbm>> -> memref<632x32xf32, #tpu.memory_space<hbm>>
      tpu.enqueue_dma source(%dma_start3A_17 : memref<632x32xf32, #tpu.memory_space<hbm>>) target(%dma_start3A_15 : memref<632x32xf32, #tpu.memory_space<vmem_shared>>) target_semaphore(%run_scoped3A : memref<!tpu.dma_semaphore, #tpu.memory_space<semaphore_mem>>)
      %dma_wait3A = arith.constant 0 : i32
      %dma_wait3A_18 = tpu.memref_slice %arg11[%mul3A_4, %dma_wait3A] : memref<10112x32xf32, #tpu.memory_space<vmem_shared>> -> memref<632x32xf32, #tpu.memory_space<vmem_shared>>
      %dma_wait3A_19 = arith.constant 0 : i32
      %dma_wait3A_20 = tpu.memref_slice %arg5[%mul3A_2, %dma_wait3A_19] : memref<10112x32xf32, #tpu.memory_space<hbm>> -> memref<632x32xf32, #tpu.memory_space<hbm>>
      tpu.wait_dma2 semaphore(%run_scoped3A : memref<!tpu.dma_semaphore, #tpu.memory_space<semaphore_mem>>) src(%dma_wait3A_20 : memref<632x32xf32, #tpu.memory_space<hbm>>) dst(%dma_wait3A_18 : memref<632x32xf32, #tpu.memory_space<vmem_shared>>)
      tpu.yield
    }) : () -> ()
    "tpu.region"() ({
      %run_scoped3A = tpu.sem_alloc : memref<!tpu.dma_semaphore, #tpu.memory_space<semaphore_mem>>
      %dma_start3A = arith.constant 0 : i32
      %dma_start3A_15 = arith.constant 0 : i32
      %dma_start3A_16 = tpu.memref_slice %arg3[%add3A, %dma_start3A, %dma_start3A_15] : memref<32x80x128xi32, #tpu.memory_space<hbm>> -> memref<1x80x128xi32, #tpu.memory_space<hbm>>
      %dma_start3A_17 = tpu.memref_squeeze %dma_start3A_16 : memref<1x80x128xi32, #tpu.memory_space<hbm>> -> memref<80x128xi32, #tpu.memory_space<hbm>>
      %dma_start3A_18 = arith.constant 0 : i32
      %dma_start3A_19 = arith.constant 0 : i32
      %dma_start3A_20 = tpu.memref_slice %arg3[%add3A, %dma_start3A_18, %dma_start3A_19] : memref<32x80x128xi32, #tpu.memory_space<hbm>> -> memref<1x80x128xi32, #tpu.memory_space<hbm>>
      %dma_start3A_21 = tpu.memref_squeeze %dma_start3A_20 : memref<1x80x128xi32, #tpu.memory_space<hbm>> -> memref<80x128xi32, #tpu.memory_space<hbm>>
      tpu.enqueue_dma source(%dma_start3A_21 : memref<80x128xi32, #tpu.memory_space<hbm>>) target(%arg7 : memref<80x128xi32, #tpu.memory_space<vmem>>) target_semaphore(%run_scoped3A : memref<!tpu.dma_semaphore, #tpu.memory_space<semaphore_mem>>)
      %dma_wait3A = arith.constant 0 : i32
      %dma_wait3A_22 = arith.constant 0 : i32
      %dma_wait3A_23 = tpu.memref_slice %arg3[%add3A, %dma_wait3A, %dma_wait3A_22] : memref<32x80x128xi32, #tpu.memory_space<hbm>> -> memref<1x80x128xi32, #tpu.memory_space<hbm>>
      %dma_wait3A_24 = tpu.memref_squeeze %dma_wait3A_23 : memref<1x80x128xi32, #tpu.memory_space<hbm>> -> memref<80x128xi32, #tpu.memory_space<hbm>>
      %dma_wait3A_25 = arith.constant 0 : i32
      %dma_wait3A_26 = arith.constant 0 : i32
      %dma_wait3A_27 = tpu.memref_slice %arg3[%add3A, %dma_wait3A_25, %dma_wait3A_26] : memref<32x80x128xi32, #tpu.memory_space<hbm>> -> memref<1x80x128xi32, #tpu.memory_space<hbm>>
      %dma_wait3A_28 = tpu.memref_squeeze %dma_wait3A_27 : memref<1x80x128xi32, #tpu.memory_space<hbm>> -> memref<80x128xi32, #tpu.memory_space<hbm>>
      tpu.wait_dma2 semaphore(%run_scoped3A : memref<!tpu.dma_semaphore, #tpu.memory_space<semaphore_mem>>) src(%dma_wait3A_28 : memref<80x128xi32, #tpu.memory_space<hbm>>) dst(%arg7 : memref<80x128xi32, #tpu.memory_space<vmem>>)
      tpu.yield
    }) : () -> ()
    "tpu.region"() ({
      %run_scoped3A = tpu.sem_alloc : memref<!tpu.dma_semaphore, #tpu.memory_space<semaphore_mem>>
      %dma_start3A = arith.constant 0 : i32
      %dma_start3A_15 = arith.constant 0 : i32
      %dma_start3A_16 = tpu.memref_slice %arg4[%add3A, %dma_start3A, %dma_start3A_15] : memref<32x80x128xi32, #tpu.memory_space<hbm>> -> memref<1x80x128xi32, #tpu.memory_space<hbm>>
      %dma_start3A_17 = tpu.memref_squeeze %dma_start3A_16 : memref<1x80x128xi32, #tpu.memory_space<hbm>> -> memref<80x128xi32, #tpu.memory_space<hbm>>
      %dma_start3A_18 = arith.constant 0 : i32
      %dma_start3A_19 = arith.constant 0 : i32
      %dma_start3A_20 = tpu.memref_slice %arg4[%add3A, %dma_start3A_18, %dma_start3A_19] : memref<32x80x128xi32, #tpu.memory_space<hbm>> -> memref<1x80x128xi32, #tpu.memory_space<hbm>>
      %dma_start3A_21 = tpu.memref_squeeze %dma_start3A_20 : memref<1x80x128xi32, #tpu.memory_space<hbm>> -> memref<80x128xi32, #tpu.memory_space<hbm>>
      tpu.enqueue_dma source(%dma_start3A_21 : memref<80x128xi32, #tpu.memory_space<hbm>>) target(%arg8 : memref<80x128xi32, #tpu.memory_space<vmem>>) target_semaphore(%run_scoped3A : memref<!tpu.dma_semaphore, #tpu.memory_space<semaphore_mem>>)
      %dma_wait3A = arith.constant 0 : i32
      %dma_wait3A_22 = arith.constant 0 : i32
      %dma_wait3A_23 = tpu.memref_slice %arg4[%add3A, %dma_wait3A, %dma_wait3A_22] : memref<32x80x128xi32, #tpu.memory_space<hbm>> -> memref<1x80x128xi32, #tpu.memory_space<hbm>>
      %dma_wait3A_24 = tpu.memref_squeeze %dma_wait3A_23 : memref<1x80x128xi32, #tpu.memory_space<hbm>> -> memref<80x128xi32, #tpu.memory_space<hbm>>
      %dma_wait3A_25 = arith.constant 0 : i32
      %dma_wait3A_26 = arith.constant 0 : i32
      %dma_wait3A_27 = tpu.memref_slice %arg4[%add3A, %dma_wait3A_25, %dma_wait3A_26] : memref<32x80x128xi32, #tpu.memory_space<hbm>> -> memref<1x80x128xi32, #tpu.memory_space<hbm>>
      %dma_wait3A_28 = tpu.memref_squeeze %dma_wait3A_27 : memref<1x80x128xi32, #tpu.memory_space<hbm>> -> memref<80x128xi32, #tpu.memory_space<hbm>>
      tpu.wait_dma2 semaphore(%run_scoped3A : memref<!tpu.dma_semaphore, #tpu.memory_space<semaphore_mem>>) src(%dma_wait3A_28 : memref<80x128xi32, #tpu.memory_space<hbm>>) dst(%arg8 : memref<80x128xi32, #tpu.memory_space<vmem>>)
      tpu.yield
    }) : () -> ()
    %barrier3A = arith.constant 0 : index
    tpu.barrier barrier_id(%barrier3A)
    %scan3A = arith.constant 0 : i32
    %scan3A_5 = arith.constant 0 : i32
    %scan3A_6 = arith.constant 40 : i32
    %scan3A_7 = arith.addi %scan3A_5, %scan3A_6 : i32
    %scan3A_8 = arith.constant 1 : i32
    scf.for %scan3A_15 = %scan3A_5 to %scan3A_7 step %scan3A_8  : i32 {
      %mul3A_16 = arith.constant 2 : i32
      %mul3A_17 = arith.muli %mul3A_16, %scan3A_15 : i32
      %dma_start3A = arith.constant 0 : i32
      %dma_start3A_18 = tpu.memref_slice %arg7[%mul3A_17, %dma_start3A] : memref<80x128xi32, #tpu.memory_space<vmem>> -> memref<1x128xi32, #tpu.memory_space<vmem>>
      %dma_start3A_19 = tpu.memref_squeeze %dma_start3A_18 : memref<1x128xi32, #tpu.memory_space<vmem>> -> memref<128xi32, #tpu.memory_space<vmem>>
      %dma_start3A_20 = arith.constant 0 : i32
      %dma_start3A_21 = arith.constant 0 : i32
      %dma_start3A_22 = tpu.memref_slice %arg2[%dma_start3A_20, %dma_start3A_21] : memref<10000x32xf32, #tpu.memory_space<hbm>> -> memref<10000x32xf32, #tpu.memory_space<hbm>>
      tpu.enqueue_indirect_dma source(%dma_start3A_22 : memref<10000x32xf32, #tpu.memory_space<hbm>>) target(%arg9 : memref<128x32xf32, #tpu.memory_space<vmem>>) offsets(%dma_start3A_19 : memref<128xi32, #tpu.memory_space<vmem>>) semaphore(%arg12 : memref<!tpu.dma_semaphore, #tpu.memory_space<semaphore_mem>>)
      %add3A_23 = arith.constant 1 : i32
      %add3A_24 = arith.addi %mul3A_17, %add3A_23 : i32
      %dma_start3A_25 = arith.constant 0 : i32
      %dma_start3A_26 = tpu.memref_slice %arg7[%add3A_24, %dma_start3A_25] : memref<80x128xi32, #tpu.memory_space<vmem>> -> memref<1x128xi32, #tpu.memory_space<vmem>>
      %dma_start3A_27 = tpu.memref_squeeze %dma_start3A_26 : memref<1x128xi32, #tpu.memory_space<vmem>> -> memref<128xi32, #tpu.memory_space<vmem>>
      %dma_start3A_28 = arith.constant 0 : i32
      %dma_start3A_29 = arith.constant 0 : i32
      %dma_start3A_30 = tpu.memref_slice %arg2[%dma_start3A_28, %dma_start3A_29] : memref<10000x32xf32, #tpu.memory_space<hbm>> -> memref<10000x32xf32, #tpu.memory_space<hbm>>
      tpu.enqueue_indirect_dma source(%dma_start3A_30 : memref<10000x32xf32, #tpu.memory_space<hbm>>) target(%arg10 : memref<128x32xf32, #tpu.memory_space<vmem>>) offsets(%dma_start3A_27 : memref<128xi32, #tpu.memory_space<vmem>>) semaphore(%arg13 : memref<!tpu.dma_semaphore, #tpu.memory_space<semaphore_mem>>)
      %dma_wait3A = arith.constant 0 : i32
      %dma_wait3A_31 = tpu.memref_slice %arg7[%mul3A_17, %dma_wait3A] : memref<80x128xi32, #tpu.memory_space<vmem>> -> memref<1x128xi32, #tpu.memory_space<vmem>>
      %dma_wait3A_32 = tpu.memref_squeeze %dma_wait3A_31 : memref<1x128xi32, #tpu.memory_space<vmem>> -> memref<128xi32, #tpu.memory_space<vmem>>
      %dma_wait3A_33 = arith.constant 0 : i32
      %dma_wait3A_34 = arith.constant 0 : i32
      %dma_wait3A_35 = tpu.memref_slice %arg2[%dma_wait3A_33, %dma_wait3A_34] : memref<10000x32xf32, #tpu.memory_space<hbm>> -> memref<10000x32xf32, #tpu.memory_space<hbm>>
      tpu.wait_indirect_dma semaphore(%arg12 : memref<!tpu.dma_semaphore, #tpu.memory_space<semaphore_mem>>) src(%dma_wait3A_35 : memref<10000x32xf32, #tpu.memory_space<hbm>>) dst(%arg9 : memref<128x32xf32, #tpu.memory_space<vmem>>)
      "tpu.region"() ({
        %run_scoped3A = tpu.sem_alloc : memref<!tpu.dma_semaphore, #tpu.memory_space<semaphore_mem>>
        %dma_start3A_44 = arith.constant 0 : i32
        %dma_start3A_45 = tpu.memref_slice %arg8[%mul3A_17, %dma_start3A_44] : memref<80x128xi32, #tpu.memory_space<vmem>> -> memref<1x128xi32, #tpu.memory_space<vmem>>
        %dma_start3A_46 = tpu.memref_squeeze %dma_start3A_45 : memref<1x128xi32, #tpu.memory_space<vmem>> -> memref<128xi32, #tpu.memory_space<vmem>>
        %dma_start3A_47 = arith.constant 0 : i32
        %dma_start3A_48 = arith.constant 0 : i32
        %dma_start3A_49 = tpu.memref_slice %arg11[%dma_start3A_47, %dma_start3A_48] : memref<10112x32xf32, #tpu.memory_space<vmem_shared>> -> memref<10112x32xf32, #tpu.memory_space<vmem_shared>>
        tpu.enqueue_indirect_dma source(%arg9 : memref<128x32xf32, #tpu.memory_space<vmem>>) target(%dma_start3A_49 : memref<10112x32xf32, #tpu.memory_space<vmem_shared>>) offsets(%dma_start3A_46 : memref<128xi32, #tpu.memory_space<vmem>>) semaphore(%run_scoped3A : memref<!tpu.dma_semaphore, #tpu.memory_space<semaphore_mem>>) {add = true}
        %dma_wait3A_50 = arith.constant 0 : i32
        %dma_wait3A_51 = tpu.memref_slice %arg8[%mul3A_17, %dma_wait3A_50] : memref<80x128xi32, #tpu.memory_space<vmem>> -> memref<1x128xi32, #tpu.memory_space<vmem>>
        %dma_wait3A_52 = tpu.memref_squeeze %dma_wait3A_51 : memref<1x128xi32, #tpu.memory_space<vmem>> -> memref<128xi32, #tpu.memory_space<vmem>>
        %dma_wait3A_53 = arith.constant 0 : i32
        %dma_wait3A_54 = arith.constant 0 : i32
        %dma_wait3A_55 = tpu.memref_slice %arg11[%dma_wait3A_53, %dma_wait3A_54] : memref<10112x32xf32, #tpu.memory_space<vmem_shared>> -> memref<10112x32xf32, #tpu.memory_space<vmem_shared>>
        tpu.wait_indirect_dma semaphore(%run_scoped3A : memref<!tpu.dma_semaphore, #tpu.memory_space<semaphore_mem>>) src(%arg9 : memref<128x32xf32, #tpu.memory_space<vmem>>) dst(%dma_wait3A_55 : memref<10112x32xf32, #tpu.memory_space<vmem_shared>>)
        tpu.yield
      }) : () -> ()
      %dma_wait3A_36 = arith.constant 0 : i32
      %dma_wait3A_37 = tpu.memref_slice %arg7[%add3A_24, %dma_wait3A_36] : memref<80x128xi32, #tpu.memory_space<vmem>> -> memref<1x128xi32, #tpu.memory_space<vmem>>
      %dma_wait3A_38 = tpu.memref_squeeze %dma_wait3A_37 : memref<1x128xi32, #tpu.memory_space<vmem>> -> memref<128xi32, #tpu.memory_space<vmem>>
      %dma_wait3A_39 = arith.constant 0 : i32
      %dma_wait3A_40 = arith.constant 0 : i32
      %dma_wait3A_41 = tpu.memref_slice %arg2[%dma_wait3A_39, %dma_wait3A_40] : memref<10000x32xf32, #tpu.memory_space<hbm>> -> memref<10000x32xf32, #tpu.memory_space<hbm>>
      tpu.wait_indirect_dma semaphore(%arg13 : memref<!tpu.dma_semaphore, #tpu.memory_space<semaphore_mem>>) src(%dma_wait3A_41 : memref<10000x32xf32, #tpu.memory_space<hbm>>) dst(%arg10 : memref<128x32xf32, #tpu.memory_space<vmem>>)
      %add3A_42 = arith.constant 1 : i32
      %add3A_43 = arith.addi %mul3A_17, %add3A_42 : i32
      "tpu.region"() ({
        %run_scoped3A = tpu.sem_alloc : memref<!tpu.dma_semaphore, #tpu.memory_space<semaphore_mem>>
        %dma_start3A_44 = arith.constant 0 : i32
        %dma_start3A_45 = tpu.memref_slice %arg8[%add3A_43, %dma_start3A_44] : memref<80x128xi32, #tpu.memory_space<vmem>> -> memref<1x128xi32, #tpu.memory_space<vmem>>
        %dma_start3A_46 = tpu.memref_squeeze %dma_start3A_45 : memref<1x128xi32, #tpu.memory_space<vmem>> -> memref<128xi32, #tpu.memory_space<vmem>>
        %dma_start3A_47 = arith.constant 0 : i32
        %dma_start3A_48 = arith.constant 0 : i32
        %dma_start3A_49 = tpu.memref_slice %arg11[%dma_start3A_47, %dma_start3A_48] : memref<10112x32xf32, #tpu.memory_space<vmem_shared>> -> memref<10112x32xf32, #tpu.memory_space<vmem_shared>>
        tpu.enqueue_indirect_dma source(%arg10 : memref<128x32xf32, #tpu.memory_space<vmem>>) target(%dma_start3A_49 : memref<10112x32xf32, #tpu.memory_space<vmem_shared>>) offsets(%dma_start3A_46 : memref<128xi32, #tpu.memory_space<vmem>>) semaphore(%run_scoped3A : memref<!tpu.dma_semaphore, #tpu.memory_space<semaphore_mem>>) {add = true}
        %dma_wait3A_50 = arith.constant 0 : i32
        %dma_wait3A_51 = tpu.memref_slice %arg8[%add3A_43, %dma_wait3A_50] : memref<80x128xi32, #tpu.memory_space<vmem>> -> memref<1x128xi32, #tpu.memory_space<vmem>>
        %dma_wait3A_52 = tpu.memref_squeeze %dma_wait3A_51 : memref<1x128xi32, #tpu.memory_space<vmem>> -> memref<128xi32, #tpu.memory_space<vmem>>
        %dma_wait3A_53 = arith.constant 0 : i32
        %dma_wait3A_54 = arith.constant 0 : i32
        %dma_wait3A_55 = tpu.memref_slice %arg11[%dma_wait3A_53, %dma_wait3A_54] : memref<10112x32xf32, #tpu.memory_space<vmem_shared>> -> memref<10112x32xf32, #tpu.memory_space<vmem_shared>>
        tpu.wait_indirect_dma semaphore(%run_scoped3A : memref<!tpu.dma_semaphore, #tpu.memory_space<semaphore_mem>>) src(%arg10 : memref<128x32xf32, #tpu.memory_space<vmem>>) dst(%dma_wait3A_55 : memref<10112x32xf32, #tpu.memory_space<vmem_shared>>)
        tpu.yield
      }) : () -> ()
    }
    %scan3A_9 = arith.constant 40 : i32
    %barrier3A_10 = arith.constant 0 : index
    tpu.barrier barrier_id(%barrier3A_10)
    %mul3A_11 = arith.constant 632 : i32
    %mul3A_12 = arith.muli %arg1, %mul3A_11 : i32
    %mul3A_13 = arith.constant 632 : i32
    %mul3A_14 = arith.muli %arg1, %mul3A_13 : i32
    "tpu.region"() ({
      %run_scoped3A = tpu.sem_alloc : memref<!tpu.dma_semaphore, #tpu.memory_space<semaphore_mem>>
      %dma_start3A = arith.constant 0 : i32
      %dma_start3A_15 = tpu.memref_slice %arg6[%arg0, %mul3A_14, %dma_start3A] : memref<2x10112x32xf32, #tpu.memory_space<hbm>> -> memref<1x632x32xf32, #tpu.memory_space<hbm>>
      %dma_start3A_16 = tpu.memref_squeeze %dma_start3A_15 : memref<1x632x32xf32, #tpu.memory_space<hbm>> -> memref<632x32xf32, #tpu.memory_space<hbm>>
      %dma_start3A_17 = arith.constant 0 : i32
      %dma_start3A_18 = tpu.memref_slice %arg11[%mul3A_12, %dma_start3A_17] : memref<10112x32xf32, #tpu.memory_space<vmem_shared>> -> memref<632x32xf32, #tpu.memory_space<vmem_shared>>
      tpu.enqueue_dma source(%dma_start3A_18 : memref<632x32xf32, #tpu.memory_space<vmem_shared>>) target(%dma_start3A_16 : memref<632x32xf32, #tpu.memory_space<hbm>>) target_semaphore(%run_scoped3A : memref<!tpu.dma_semaphore, #tpu.memory_space<semaphore_mem>>)
      %dma_wait3A = arith.constant 0 : i32
      %dma_wait3A_19 = tpu.memref_slice %arg6[%arg0, %mul3A_14, %dma_wait3A] : memref<2x10112x32xf32, #tpu.memory_space<hbm>> -> memref<1x632x32xf32, #tpu.memory_space<hbm>>
      %dma_wait3A_20 = tpu.memref_squeeze %dma_wait3A_19 : memref<1x632x32xf32, #tpu.memory_space<hbm>> -> memref<632x32xf32, #tpu.memory_space<hbm>>
      %dma_wait3A_21 = arith.constant 0 : i32
      %dma_wait3A_22 = tpu.memref_slice %arg11[%mul3A_12, %dma_wait3A_21] : memref<10112x32xf32, #tpu.memory_space<vmem_shared>> -> memref<632x32xf32, #tpu.memory_space<vmem_shared>>
      tpu.wait_dma2 semaphore(%run_scoped3A : memref<!tpu.dma_semaphore, #tpu.memory_space<semaphore_mem>>) src(%dma_wait3A_22 : memref<632x32xf32, #tpu.memory_space<vmem_shared>>) dst(%dma_wait3A_20 : memref<632x32xf32, #tpu.memory_space<hbm>>)
      tpu.yield
    }) : () -> ()
    return
  }
}

#map = affine_map<(d0, d1) -> (0, 0)>
#map1 = affine_map<(d0, d1) -> (0, 0, 0)>
module attributes {stable_mosaic.version = 14 : i64} {
  func.func @seg(%arg0: i32, %arg1: i32, %arg2: memref<10000x32xf32, #tpu.memory_space<hbm>>, %arg3: memref<32x80x128xi32, #tpu.memory_space<hbm>>, %arg4: memref<32x80x128xi32, #tpu.memory_space<hbm>>, %arg5: memref<10112x32xf32, #tpu.memory_space<hbm>>, %arg6: memref<2x10112x32xf32, #tpu.memory_space<hbm>>, %arg7: memref<80x128xi32, #tpu.memory_space<vmem>>, %arg8: memref<80x128xi32, #tpu.memory_space<vmem>>, %arg9: memref<128x32xf32, #tpu.memory_space<vmem>>, %arg10: memref<128x32xf32, #tpu.memory_space<vmem>>, %arg11: memref<10112x32xf32, #tpu.memory_space<vmem_shared>>, %arg12: memref<!tpu.dma_semaphore, #tpu.memory_space<semaphore_mem>>, %arg13: memref<!tpu.dma_semaphore, #tpu.memory_space<semaphore_mem>>) attributes {dimension_semantics = [#tpu.dimension_semantics<core_parallel>, #tpu.dimension_semantics<subcore_parallel>], iteration_bounds = array<i64: 2, 16>, scalar_prefetch = 0 : i64, scratch_operands = 7 : i64, tpu.core_type = #tpu.core_type<sc_vector_subcore>, window_params = [{transform_indices = #map}, {transform_indices = #map1}, {transform_indices = #map1}, {transform_indices = #map}, {transform_indices = #map1}]} {
    %mul3A = arith.constant 16 : i32
    %mul3A_0 = arith.muli %arg0, %mul3A : i32
    %add3A = arith.addi %mul3A_0, %arg1 : i32
    %mul3A_1 = arith.constant 632 : i32
    %mul3A_2 = arith.muli %arg1, %mul3A_1 : i32
    %mul3A_3 = arith.constant 632 : i32
    %mul3A_4 = arith.muli %arg1, %mul3A_3 : i32
    "tpu.region"() ({
      %run_scoped3A = tpu.sem_alloc : memref<!tpu.dma_semaphore, #tpu.memory_space<semaphore_mem>>
      %dma_start3A = arith.constant 0 : i32
      %dma_start3A_15 = tpu.memref_slice %arg11[%mul3A_4, %dma_start3A] : memref<10112x32xf32, #tpu.memory_space<vmem_shared>> -> memref<632x32xf32, #tpu.memory_space<vmem_shared>>
      %dma_start3A_16 = arith.constant 0 : i32
      %dma_start3A_17 = tpu.memref_slice %arg5[%mul3A_2, %dma_start3A_16] : memref<10112x32xf32, #tpu.memory_space<hbm>> -> memref<632x32xf32, #tpu.memory_space<hbm>>
      tpu.enqueue_dma source(%dma_start3A_17 : memref<632x32xf32, #tpu.memory_space<hbm>>) target(%dma_start3A_15 : memref<632x32xf32, #tpu.memory_space<vmem_shared>>) target_semaphore(%run_scoped3A : memref<!tpu.dma_semaphore, #tpu.memory_space<semaphore_mem>>)
      %dma_wait3A = arith.constant 0 : i32
      %dma_wait3A_18 = tpu.memref_slice %arg11[%mul3A_4, %dma_wait3A] : memref<10112x32xf32, #tpu.memory_space<vmem_shared>> -> memref<632x32xf32, #tpu.memory_space<vmem_shared>>
      %dma_wait3A_19 = arith.constant 0 : i32
      %dma_wait3A_20 = tpu.memref_slice %arg5[%mul3A_2, %dma_wait3A_19] : memref<10112x32xf32, #tpu.memory_space<hbm>> -> memref<632x32xf32, #tpu.memory_space<hbm>>
      tpu.wait_dma2 semaphore(%run_scoped3A : memref<!tpu.dma_semaphore, #tpu.memory_space<semaphore_mem>>) src(%dma_wait3A_20 : memref<632x32xf32, #tpu.memory_space<hbm>>) dst(%dma_wait3A_18 : memref<632x32xf32, #tpu.memory_space<vmem_shared>>)
      tpu.yield
    }) : () -> ()
    "tpu.region"() ({
      %run_scoped3A = tpu.sem_alloc : memref<!tpu.dma_semaphore, #tpu.memory_space<semaphore_mem>>
      %dma_start3A = arith.constant 0 : i32
      %dma_start3A_15 = arith.constant 0 : i32
      %dma_start3A_16 = tpu.memref_slice %arg3[%add3A, %dma_start3A, %dma_start3A_15] : memref<32x80x128xi32, #tpu.memory_space<hbm>> -> memref<1x80x128xi32, #tpu.memory_space<hbm>>
      %dma_start3A_17 = tpu.memref_squeeze %dma_start3A_16 : memref<1x80x128xi32, #tpu.memory_space<hbm>> -> memref<80x128xi32, #tpu.memory_space<hbm>>
      %dma_start3A_18 = arith.constant 0 : i32
      %dma_start3A_19 = arith.constant 0 : i32
      %dma_start3A_20 = tpu.memref_slice %arg3[%add3A, %dma_start3A_18, %dma_start3A_19] : memref<32x80x128xi32, #tpu.memory_space<hbm>> -> memref<1x80x128xi32, #tpu.memory_space<hbm>>
      %dma_start3A_21 = tpu.memref_squeeze %dma_start3A_20 : memref<1x80x128xi32, #tpu.memory_space<hbm>> -> memref<80x128xi32, #tpu.memory_space<hbm>>
      tpu.enqueue_dma source(%dma_start3A_21 : memref<80x128xi32, #tpu.memory_space<hbm>>) target(%arg7 : memref<80x128xi32, #tpu.memory_space<vmem>>) target_semaphore(%run_scoped3A : memref<!tpu.dma_semaphore, #tpu.memory_space<semaphore_mem>>)
      %dma_wait3A = arith.constant 0 : i32
      %dma_wait3A_22 = arith.constant 0 : i32
      %dma_wait3A_23 = tpu.memref_slice %arg3[%add3A, %dma_wait3A, %dma_wait3A_22] : memref<32x80x128xi32, #tpu.memory_space<hbm>> -> memref<1x80x128xi32, #tpu.memory_space<hbm>>
      %dma_wait3A_24 = tpu.memref_squeeze %dma_wait3A_23 : memref<1x80x128xi32, #tpu.memory_space<hbm>> -> memref<80x128xi32, #tpu.memory_space<hbm>>
      %dma_wait3A_25 = arith.constant 0 : i32
      %dma_wait3A_26 = arith.constant 0 : i32
      %dma_wait3A_27 = tpu.memref_slice %arg3[%add3A, %dma_wait3A_25, %dma_wait3A_26] : memref<32x80x128xi32, #tpu.memory_space<hbm>> -> memref<1x80x128xi32, #tpu.memory_space<hbm>>
      %dma_wait3A_28 = tpu.memref_squeeze %dma_wait3A_27 : memref<1x80x128xi32, #tpu.memory_space<hbm>> -> memref<80x128xi32, #tpu.memory_space<hbm>>
      tpu.wait_dma2 semaphore(%run_scoped3A : memref<!tpu.dma_semaphore, #tpu.memory_space<semaphore_mem>>) src(%dma_wait3A_28 : memref<80x128xi32, #tpu.memory_space<hbm>>) dst(%arg7 : memref<80x128xi32, #tpu.memory_space<vmem>>)
      tpu.yield
    }) : () -> ()
    "tpu.region"() ({
      %run_scoped3A = tpu.sem_alloc : memref<!tpu.dma_semaphore, #tpu.memory_space<semaphore_mem>>
      %dma_start3A = arith.constant 0 : i32
      %dma_start3A_15 = arith.constant 0 : i32
      %dma_start3A_16 = tpu.memref_slice %arg4[%add3A, %dma_start3A, %dma_start3A_15] : memref<32x80x128xi32, #tpu.memory_space<hbm>> -> memref<1x80x128xi32, #tpu.memory_space<hbm>>
      %dma_start3A_17 = tpu.memref_squeeze %dma_start3A_16 : memref<1x80x128xi32, #tpu.memory_space<hbm>> -> memref<80x128xi32, #tpu.memory_space<hbm>>
      %dma_start3A_18 = arith.constant 0 : i32
      %dma_start3A_19 = arith.constant 0 : i32
      %dma_start3A_20 = tpu.memref_slice %arg4[%add3A, %dma_start3A_18, %dma_start3A_19] : memref<32x80x128xi32, #tpu.memory_space<hbm>> -> memref<1x80x128xi32, #tpu.memory_space<hbm>>
      %dma_start3A_21 = tpu.memref_squeeze %dma_start3A_20 : memref<1x80x128xi32, #tpu.memory_space<hbm>> -> memref<80x128xi32, #tpu.memory_space<hbm>>
      tpu.enqueue_dma source(%dma_start3A_21 : memref<80x128xi32, #tpu.memory_space<hbm>>) target(%arg8 : memref<80x128xi32, #tpu.memory_space<vmem>>) target_semaphore(%run_scoped3A : memref<!tpu.dma_semaphore, #tpu.memory_space<semaphore_mem>>)
      %dma_wait3A = arith.constant 0 : i32
      %dma_wait3A_22 = arith.constant 0 : i32
      %dma_wait3A_23 = tpu.memref_slice %arg4[%add3A, %dma_wait3A, %dma_wait3A_22] : memref<32x80x128xi32, #tpu.memory_space<hbm>> -> memref<1x80x128xi32, #tpu.memory_space<hbm>>
      %dma_wait3A_24 = tpu.memref_squeeze %dma_wait3A_23 : memref<1x80x128xi32, #tpu.memory_space<hbm>> -> memref<80x128xi32, #tpu.memory_space<hbm>>
      %dma_wait3A_25 = arith.constant 0 : i32
      %dma_wait3A_26 = arith.constant 0 : i32
      %dma_wait3A_27 = tpu.memref_slice %arg4[%add3A, %dma_wait3A_25, %dma_wait3A_26] : memref<32x80x128xi32, #tpu.memory_space<hbm>> -> memref<1x80x128xi32, #tpu.memory_space<hbm>>
      %dma_wait3A_28 = tpu.memref_squeeze %dma_wait3A_27 : memref<1x80x128xi32, #tpu.memory_space<hbm>> -> memref<80x128xi32, #tpu.memory_space<hbm>>
      tpu.wait_dma2 semaphore(%run_scoped3A : memref<!tpu.dma_semaphore, #tpu.memory_space<semaphore_mem>>) src(%dma_wait3A_28 : memref<80x128xi32, #tpu.memory_space<hbm>>) dst(%arg8 : memref<80x128xi32, #tpu.memory_space<vmem>>)
      tpu.yield
    }) : () -> ()
    %barrier3A = arith.constant 0 : index
    tpu.barrier barrier_id(%barrier3A)
    %scan3A = arith.constant 0 : i32
    %scan3A_5 = arith.constant 0 : i32
    %scan3A_6 = arith.constant 40 : i32
    %scan3A_7 = arith.addi %scan3A_5, %scan3A_6 : i32
    %scan3A_8 = arith.constant 1 : i32
    scf.for %scan3A_15 = %scan3A_5 to %scan3A_7 step %scan3A_8  : i32 {
      %mul3A_16 = arith.constant 2 : i32
      %mul3A_17 = arith.muli %mul3A_16, %scan3A_15 : i32
      %dma_start3A = arith.constant 0 : i32
      %dma_start3A_18 = tpu.memref_slice %arg7[%mul3A_17, %dma_start3A] : memref<80x128xi32, #tpu.memory_space<vmem>> -> memref<1x128xi32, #tpu.memory_space<vmem>>
      %dma_start3A_19 = tpu.memref_squeeze %dma_start3A_18 : memref<1x128xi32, #tpu.memory_space<vmem>> -> memref<128xi32, #tpu.memory_space<vmem>>
      %dma_start3A_20 = arith.constant 0 : i32
      %dma_start3A_21 = arith.constant 0 : i32
      %dma_start3A_22 = tpu.memref_slice %arg2[%dma_start3A_20, %dma_start3A_21] : memref<10000x32xf32, #tpu.memory_space<hbm>> -> memref<10000x32xf32, #tpu.memory_space<hbm>>
      tpu.enqueue_indirect_dma source(%dma_start3A_22 : memref<10000x32xf32, #tpu.memory_space<hbm>>) target(%arg9 : memref<128x32xf32, #tpu.memory_space<vmem>>) offsets(%dma_start3A_19 : memref<128xi32, #tpu.memory_space<vmem>>) semaphore(%arg12 : memref<!tpu.dma_semaphore, #tpu.memory_space<semaphore_mem>>)
      %add3A_23 = arith.constant 1 : i32
      %add3A_24 = arith.addi %mul3A_17, %add3A_23 : i32
      %dma_start3A_25 = arith.constant 0 : i32
      %dma_start3A_26 = tpu.memref_slice %arg7[%add3A_24, %dma_start3A_25] : memref<80x128xi32, #tpu.memory_space<vmem>> -> memref<1x128xi32, #tpu.memory_space<vmem>>
      %dma_start3A_27 = tpu.memref_squeeze %dma_start3A_26 : memref<1x128xi32, #tpu.memory_space<vmem>> -> memref<128xi32, #tpu.memory_space<vmem>>
      %dma_start3A_28 = arith.constant 0 : i32
      %dma_start3A_29 = arith.constant 0 : i32
      %dma_start3A_30 = tpu.memref_slice %arg2[%dma_start3A_28, %dma_start3A_29] : memref<10000x32xf32, #tpu.memory_space<hbm>> -> memref<10000x32xf32, #tpu.memory_space<hbm>>
      tpu.enqueue_indirect_dma source(%dma_start3A_30 : memref<10000x32xf32, #tpu.memory_space<hbm>>) target(%arg10 : memref<128x32xf32, #tpu.memory_space<vmem>>) offsets(%dma_start3A_27 : memref<128xi32, #tpu.memory_space<vmem>>) semaphore(%arg13 : memref<!tpu.dma_semaphore, #tpu.memory_space<semaphore_mem>>)
      %dma_wait3A = arith.constant 0 : i32
      %dma_wait3A_31 = tpu.memref_slice %arg7[%mul3A_17, %dma_wait3A] : memref<80x128xi32, #tpu.memory_space<vmem>> -> memref<1x128xi32, #tpu.memory_space<vmem>>
      %dma_wait3A_32 = tpu.memref_squeeze %dma_wait3A_31 : memref<1x128xi32, #tpu.memory_space<vmem>> -> memref<128xi32, #tpu.memory_space<vmem>>
      %dma_wait3A_33 = arith.constant 0 : i32
      %dma_wait3A_34 = arith.constant 0 : i32
      %dma_wait3A_35 = tpu.memref_slice %arg2[%dma_wait3A_33, %dma_wait3A_34] : memref<10000x32xf32, #tpu.memory_space<hbm>> -> memref<10000x32xf32, #tpu.memory_space<hbm>>
      tpu.wait_indirect_dma semaphore(%arg12 : memref<!tpu.dma_semaphore, #tpu.memory_space<semaphore_mem>>) src(%dma_wait3A_35 : memref<10000x32xf32, #tpu.memory_space<hbm>>) dst(%arg9 : memref<128x32xf32, #tpu.memory_space<vmem>>)
      "tpu.region"() ({
        %run_scoped3A = tpu.sem_alloc : memref<!tpu.dma_semaphore, #tpu.memory_space<semaphore_mem>>
        %dma_start3A_44 = arith.constant 0 : i32
        %dma_start3A_45 = tpu.memref_slice %arg8[%mul3A_17, %dma_start3A_44] : memref<80x128xi32, #tpu.memory_space<vmem>> -> memref<1x128xi32, #tpu.memory_space<vmem>>
        %dma_start3A_46 = tpu.memref_squeeze %dma_start3A_45 : memref<1x128xi32, #tpu.memory_space<vmem>> -> memref<128xi32, #tpu.memory_space<vmem>>
        %dma_start3A_47 = arith.constant 0 : i32
        %dma_start3A_48 = arith.constant 0 : i32
        %dma_start3A_49 = tpu.memref_slice %arg11[%dma_start3A_47, %dma_start3A_48] : memref<10112x32xf32, #tpu.memory_space<vmem_shared>> -> memref<10112x32xf32, #tpu.memory_space<vmem_shared>>
        tpu.enqueue_indirect_dma source(%arg9 : memref<128x32xf32, #tpu.memory_space<vmem>>) target(%dma_start3A_49 : memref<10112x32xf32, #tpu.memory_space<vmem_shared>>) offsets(%dma_start3A_46 : memref<128xi32, #tpu.memory_space<vmem>>) semaphore(%run_scoped3A : memref<!tpu.dma_semaphore, #tpu.memory_space<semaphore_mem>>) {add = true}
        %dma_wait3A_50 = arith.constant 0 : i32
        %dma_wait3A_51 = tpu.memref_slice %arg8[%mul3A_17, %dma_wait3A_50] : memref<80x128xi32, #tpu.memory_space<vmem>> -> memref<1x128xi32, #tpu.memory_space<vmem>>
        %dma_wait3A_52 = tpu.memref_squeeze %dma_wait3A_51 : memref<1x128xi32, #tpu.memory_space<vmem>> -> memref<128xi32, #tpu.memory_space<vmem>>
        %dma_wait3A_53 = arith.constant 0 : i32
        %dma_wait3A_54 = arith.constant 0 : i32
        %dma_wait3A_55 = tpu.memref_slice %arg11[%dma_wait3A_53, %dma_wait3A_54] : memref<10112x32xf32, #tpu.memory_space<vmem_shared>> -> memref<10112x32xf32, #tpu.memory_space<vmem_shared>>
        tpu.wait_indirect_dma semaphore(%run_scoped3A : memref<!tpu.dma_semaphore, #tpu.memory_space<semaphore_mem>>) src(%arg9 : memref<128x32xf32, #tpu.memory_space<vmem>>) dst(%dma_wait3A_55 : memref<10112x32xf32, #tpu.memory_space<vmem_shared>>)
        tpu.yield
      }) : () -> ()
      %dma_wait3A_36 = arith.constant 0 : i32
      %dma_wait3A_37 = tpu.memref_slice %arg7[%add3A_24, %dma_wait3A_36] : memref<80x128xi32, #tpu.memory_space<vmem>> -> memref<1x128xi32, #tpu.memory_space<vmem>>
      %dma_wait3A_38 = tpu.memref_squeeze %dma_wait3A_37 : memref<1x128xi32, #tpu.memory_space<vmem>> -> memref<128xi32, #tpu.memory_space<vmem>>
      %dma_wait3A_39 = arith.constant 0 : i32
      %dma_wait3A_40 = arith.constant 0 : i32
      %dma_wait3A_41 = tpu.memref_slice %arg2[%dma_wait3A_39, %dma_wait3A_40] : memref<10000x32xf32, #tpu.memory_space<hbm>> -> memref<10000x32xf32, #tpu.memory_space<hbm>>
      tpu.wait_indirect_dma semaphore(%arg13 : memref<!tpu.dma_semaphore, #tpu.memory_space<semaphore_mem>>) src(%dma_wait3A_41 : memref<10000x32xf32, #tpu.memory_space<hbm>>) dst(%arg10 : memref<128x32xf32, #tpu.memory_space<vmem>>)
      %add3A_42 = arith.constant 1 : i32
      %add3A_43 = arith.addi %mul3A_17, %add3A_42 : i32
      "tpu.region"() ({
        %run_scoped3A = tpu.sem_alloc : memref<!tpu.dma_semaphore, #tpu.memory_space<semaphore_mem>>
        %dma_start3A_44 = arith.constant 0 : i32
        %dma_start3A_45 = tpu.memref_slice %arg8[%add3A_43, %dma_start3A_44] : memref<80x128xi32, #tpu.memory_space<vmem>> -> memref<1x128xi32, #tpu.memory_space<vmem>>
        %dma_start3A_46 = tpu.memref_squeeze %dma_start3A_45 : memref<1x128xi32, #tpu.memory_space<vmem>> -> memref<128xi32, #tpu.memory_space<vmem>>
        %dma_start3A_47 = arith.constant 0 : i32
        %dma_start3A_48 = arith.constant 0 : i32
        %dma_start3A_49 = tpu.memref_slice %arg11[%dma_start3A_47, %dma_start3A_48] : memref<10112x32xf32, #tpu.memory_space<vmem_shared>> -> memref<10112x32xf32, #tpu.memory_space<vmem_shared>>
        tpu.enqueue_indirect_dma source(%arg10 : memref<128x32xf32, #tpu.memory_space<vmem>>) target(%dma_start3A_49 : memref<10112x32xf32, #tpu.memory_space<vmem_shared>>) offsets(%dma_start3A_46 : memref<128xi32, #tpu.memory_space<vmem>>) semaphore(%run_scoped3A : memref<!tpu.dma_semaphore, #tpu.memory_space<semaphore_mem>>) {add = true}
        %dma_wait3A_50 = arith.constant 0 : i32
        %dma_wait3A_51 = tpu.memref_slice %arg8[%add3A_43, %dma_wait3A_50] : memref<80x128xi32, #tpu.memory_space<vmem>> -> memref<1x128xi32, #tpu.memory_space<vmem>>
        %dma_wait3A_52 = tpu.memref_squeeze %dma_wait3A_51 : memref<1x128xi32, #tpu.memory_space<vmem>> -> memref<128xi32, #tpu.memory_space<vmem>>
        %dma_wait3A_53 = arith.constant 0 : i32
        %dma_wait3A_54 = arith.constant 0 : i32
        %dma_wait3A_55 = tpu.memref_slice %arg11[%dma_wait3A_53, %dma_wait3A_54] : memref<10112x32xf32, #tpu.memory_space<vmem_shared>> -> memref<10112x32xf32, #tpu.memory_space<vmem_shared>>
        tpu.wait_indirect_dma semaphore(%run_scoped3A : memref<!tpu.dma_semaphore, #tpu.memory_space<semaphore_mem>>) src(%arg10 : memref<128x32xf32, #tpu.memory_space<vmem>>) dst(%dma_wait3A_55 : memref<10112x32xf32, #tpu.memory_space<vmem_shared>>)
        tpu.yield
      }) : () -> ()
    }
    %scan3A_9 = arith.constant 40 : i32
    %barrier3A_10 = arith.constant 0 : index
    tpu.barrier barrier_id(%barrier3A_10)
    %mul3A_11 = arith.constant 632 : i32
    %mul3A_12 = arith.muli %arg1, %mul3A_11 : i32
    %mul3A_13 = arith.constant 632 : i32
    %mul3A_14 = arith.muli %arg1, %mul3A_13 : i32
    "tpu.region"() ({
      %run_scoped3A = tpu.sem_alloc : memref<!tpu.dma_semaphore, #tpu.memory_space<semaphore_mem>>
      %dma_start3A = arith.constant 0 : i32
      %dma_start3A_15 = tpu.memref_slice %arg6[%arg0, %mul3A_14, %dma_start3A] : memref<2x10112x32xf32, #tpu.memory_space<hbm>> -> memref<1x632x32xf32, #tpu.memory_space<hbm>>
      %dma_start3A_16 = tpu.memref_squeeze %dma_start3A_15 : memref<1x632x32xf32, #tpu.memory_space<hbm>> -> memref<632x32xf32, #tpu.memory_space<hbm>>
      %dma_start3A_17 = arith.constant 0 : i32
      %dma_start3A_18 = tpu.memref_slice %arg11[%mul3A_12, %dma_start3A_17] : memref<10112x32xf32, #tpu.memory_space<vmem_shared>> -> memref<632x32xf32, #tpu.memory_space<vmem_shared>>
      tpu.enqueue_dma source(%dma_start3A_18 : memref<632x32xf32, #tpu.memory_space<vmem_shared>>) target(%dma_start3A_16 : memref<632x32xf32, #tpu.memory_space<hbm>>) target_semaphore(%run_scoped3A : memref<!tpu.dma_semaphore, #tpu.memory_space<semaphore_mem>>)
      %dma_wait3A = arith.constant 0 : i32
      %dma_wait3A_19 = tpu.memref_slice %arg6[%arg0, %mul3A_14, %dma_wait3A] : memref<2x10112x32xf32, #tpu.memory_space<hbm>> -> memref<1x632x32xf32, #tpu.memory_space<hbm>>
      %dma_wait3A_20 = tpu.memref_squeeze %dma_wait3A_19 : memref<1x632x32xf32, #tpu.memory_space<hbm>> -> memref<632x32xf32, #tpu.memory_space<hbm>>
      %dma_wait3A_21 = arith.constant 0 : i32
      %dma_wait3A_22 = tpu.memref_slice %arg11[%mul3A_12, %dma_wait3A_21] : memref<10112x32xf32, #tpu.memory_space<vmem_shared>> -> memref<632x32xf32, #tpu.memory_space<vmem_shared>>
      tpu.wait_dma2 semaphore(%run_scoped3A : memref<!tpu.dma_semaphore, #tpu.memory_space<semaphore_mem>>) src(%dma_wait3A_22 : memref<632x32xf32, #tpu.memory_space<vmem_shared>>) dst(%dma_wait3A_20 : memref<632x32xf32, #tpu.memory_space<hbm>>)
      tpu.yield
    }) : () -> ()
    return
  }
}

#map = affine_map<(d0, d1) -> (0, 0)>
#map1 = affine_map<(d0, d1) -> (0, 0, 0)>
module attributes {stable_mosaic.version = 14 : i64} {
  func.func @seg(%arg0: i32, %arg1: i32, %arg2: memref<10000x32xf32, #tpu.memory_space<hbm>>, %arg3: memref<32x80x128xi32, #tpu.memory_space<hbm>>, %arg4: memref<32x80x128xi32, #tpu.memory_space<hbm>>, %arg5: memref<10112x32xf32, #tpu.memory_space<hbm>>, %arg6: memref<2x10112x32xf32, #tpu.memory_space<hbm>>, %arg7: memref<80x128xi32, #tpu.memory_space<vmem>>, %arg8: memref<80x128xi32, #tpu.memory_space<vmem>>, %arg9: memref<128x32xf32, #tpu.memory_space<vmem>>, %arg10: memref<128x32xf32, #tpu.memory_space<vmem>>, %arg11: memref<10112x32xf32, #tpu.memory_space<vmem_shared>>, %arg12: memref<!tpu.dma_semaphore, #tpu.memory_space<semaphore_mem>>, %arg13: memref<!tpu.dma_semaphore, #tpu.memory_space<semaphore_mem>>) attributes {dimension_semantics = [#tpu.dimension_semantics<core_parallel>, #tpu.dimension_semantics<subcore_parallel>], iteration_bounds = array<i64: 2, 16>, scalar_prefetch = 0 : i64, scratch_operands = 7 : i64, tpu.core_type = #tpu.core_type<sc_vector_subcore>, window_params = [{transform_indices = #map}, {transform_indices = #map1}, {transform_indices = #map1}, {transform_indices = #map}, {transform_indices = #map1}]} {
    %mul3A = arith.constant 16 : i32
    %mul3A_0 = arith.muli %arg0, %mul3A : i32
    %add3A = arith.addi %mul3A_0, %arg1 : i32
    %mul3A_1 = arith.constant 632 : i32
    %mul3A_2 = arith.muli %arg1, %mul3A_1 : i32
    %mul3A_3 = arith.constant 632 : i32
    %mul3A_4 = arith.muli %arg1, %mul3A_3 : i32
    "tpu.region"() ({
      %run_scoped3A = tpu.sem_alloc : memref<!tpu.dma_semaphore, #tpu.memory_space<semaphore_mem>>
      %dma_start3A = arith.constant 0 : i32
      %dma_start3A_15 = tpu.memref_slice %arg11[%mul3A_4, %dma_start3A] : memref<10112x32xf32, #tpu.memory_space<vmem_shared>> -> memref<632x32xf32, #tpu.memory_space<vmem_shared>>
      %dma_start3A_16 = arith.constant 0 : i32
      %dma_start3A_17 = tpu.memref_slice %arg5[%mul3A_2, %dma_start3A_16] : memref<10112x32xf32, #tpu.memory_space<hbm>> -> memref<632x32xf32, #tpu.memory_space<hbm>>
      tpu.enqueue_dma source(%dma_start3A_17 : memref<632x32xf32, #tpu.memory_space<hbm>>) target(%dma_start3A_15 : memref<632x32xf32, #tpu.memory_space<vmem_shared>>) target_semaphore(%run_scoped3A : memref<!tpu.dma_semaphore, #tpu.memory_space<semaphore_mem>>)
      %dma_wait3A = arith.constant 0 : i32
      %dma_wait3A_18 = tpu.memref_slice %arg11[%mul3A_4, %dma_wait3A] : memref<10112x32xf32, #tpu.memory_space<vmem_shared>> -> memref<632x32xf32, #tpu.memory_space<vmem_shared>>
      %dma_wait3A_19 = arith.constant 0 : i32
      %dma_wait3A_20 = tpu.memref_slice %arg5[%mul3A_2, %dma_wait3A_19] : memref<10112x32xf32, #tpu.memory_space<hbm>> -> memref<632x32xf32, #tpu.memory_space<hbm>>
      tpu.wait_dma2 semaphore(%run_scoped3A : memref<!tpu.dma_semaphore, #tpu.memory_space<semaphore_mem>>) src(%dma_wait3A_20 : memref<632x32xf32, #tpu.memory_space<hbm>>) dst(%dma_wait3A_18 : memref<632x32xf32, #tpu.memory_space<vmem_shared>>)
      tpu.yield
    }) : () -> ()
    "tpu.region"() ({
      %run_scoped3A = tpu.sem_alloc : memref<!tpu.dma_semaphore, #tpu.memory_space<semaphore_mem>>
      %dma_start3A = arith.constant 0 : i32
      %dma_start3A_15 = arith.constant 0 : i32
      %dma_start3A_16 = tpu.memref_slice %arg3[%add3A, %dma_start3A, %dma_start3A_15] : memref<32x80x128xi32, #tpu.memory_space<hbm>> -> memref<1x80x128xi32, #tpu.memory_space<hbm>>
      %dma_start3A_17 = tpu.memref_squeeze %dma_start3A_16 : memref<1x80x128xi32, #tpu.memory_space<hbm>> -> memref<80x128xi32, #tpu.memory_space<hbm>>
      %dma_start3A_18 = arith.constant 0 : i32
      %dma_start3A_19 = arith.constant 0 : i32
      %dma_start3A_20 = tpu.memref_slice %arg3[%add3A, %dma_start3A_18, %dma_start3A_19] : memref<32x80x128xi32, #tpu.memory_space<hbm>> -> memref<1x80x128xi32, #tpu.memory_space<hbm>>
      %dma_start3A_21 = tpu.memref_squeeze %dma_start3A_20 : memref<1x80x128xi32, #tpu.memory_space<hbm>> -> memref<80x128xi32, #tpu.memory_space<hbm>>
      tpu.enqueue_dma source(%dma_start3A_21 : memref<80x128xi32, #tpu.memory_space<hbm>>) target(%arg7 : memref<80x128xi32, #tpu.memory_space<vmem>>) target_semaphore(%run_scoped3A : memref<!tpu.dma_semaphore, #tpu.memory_space<semaphore_mem>>)
      %dma_wait3A = arith.constant 0 : i32
      %dma_wait3A_22 = arith.constant 0 : i32
      %dma_wait3A_23 = tpu.memref_slice %arg3[%add3A, %dma_wait3A, %dma_wait3A_22] : memref<32x80x128xi32, #tpu.memory_space<hbm>> -> memref<1x80x128xi32, #tpu.memory_space<hbm>>
      %dma_wait3A_24 = tpu.memref_squeeze %dma_wait3A_23 : memref<1x80x128xi32, #tpu.memory_space<hbm>> -> memref<80x128xi32, #tpu.memory_space<hbm>>
      %dma_wait3A_25 = arith.constant 0 : i32
      %dma_wait3A_26 = arith.constant 0 : i32
      %dma_wait3A_27 = tpu.memref_slice %arg3[%add3A, %dma_wait3A_25, %dma_wait3A_26] : memref<32x80x128xi32, #tpu.memory_space<hbm>> -> memref<1x80x128xi32, #tpu.memory_space<hbm>>
      %dma_wait3A_28 = tpu.memref_squeeze %dma_wait3A_27 : memref<1x80x128xi32, #tpu.memory_space<hbm>> -> memref<80x128xi32, #tpu.memory_space<hbm>>
      tpu.wait_dma2 semaphore(%run_scoped3A : memref<!tpu.dma_semaphore, #tpu.memory_space<semaphore_mem>>) src(%dma_wait3A_28 : memref<80x128xi32, #tpu.memory_space<hbm>>) dst(%arg7 : memref<80x128xi32, #tpu.memory_space<vmem>>)
      tpu.yield
    }) : () -> ()
    "tpu.region"() ({
      %run_scoped3A = tpu.sem_alloc : memref<!tpu.dma_semaphore, #tpu.memory_space<semaphore_mem>>
      %dma_start3A = arith.constant 0 : i32
      %dma_start3A_15 = arith.constant 0 : i32
      %dma_start3A_16 = tpu.memref_slice %arg4[%add3A, %dma_start3A, %dma_start3A_15] : memref<32x80x128xi32, #tpu.memory_space<hbm>> -> memref<1x80x128xi32, #tpu.memory_space<hbm>>
      %dma_start3A_17 = tpu.memref_squeeze %dma_start3A_16 : memref<1x80x128xi32, #tpu.memory_space<hbm>> -> memref<80x128xi32, #tpu.memory_space<hbm>>
      %dma_start3A_18 = arith.constant 0 : i32
      %dma_start3A_19 = arith.constant 0 : i32
      %dma_start3A_20 = tpu.memref_slice %arg4[%add3A, %dma_start3A_18, %dma_start3A_19] : memref<32x80x128xi32, #tpu.memory_space<hbm>> -> memref<1x80x128xi32, #tpu.memory_space<hbm>>
      %dma_start3A_21 = tpu.memref_squeeze %dma_start3A_20 : memref<1x80x128xi32, #tpu.memory_space<hbm>> -> memref<80x128xi32, #tpu.memory_space<hbm>>
      tpu.enqueue_dma source(%dma_start3A_21 : memref<80x128xi32, #tpu.memory_space<hbm>>) target(%arg8 : memref<80x128xi32, #tpu.memory_space<vmem>>) target_semaphore(%run_scoped3A : memref<!tpu.dma_semaphore, #tpu.memory_space<semaphore_mem>>)
      %dma_wait3A = arith.constant 0 : i32
      %dma_wait3A_22 = arith.constant 0 : i32
      %dma_wait3A_23 = tpu.memref_slice %arg4[%add3A, %dma_wait3A, %dma_wait3A_22] : memref<32x80x128xi32, #tpu.memory_space<hbm>> -> memref<1x80x128xi32, #tpu.memory_space<hbm>>
      %dma_wait3A_24 = tpu.memref_squeeze %dma_wait3A_23 : memref<1x80x128xi32, #tpu.memory_space<hbm>> -> memref<80x128xi32, #tpu.memory_space<hbm>>
      %dma_wait3A_25 = arith.constant 0 : i32
      %dma_wait3A_26 = arith.constant 0 : i32
      %dma_wait3A_27 = tpu.memref_slice %arg4[%add3A, %dma_wait3A_25, %dma_wait3A_26] : memref<32x80x128xi32, #tpu.memory_space<hbm>> -> memref<1x80x128xi32, #tpu.memory_space<hbm>>
      %dma_wait3A_28 = tpu.memref_squeeze %dma_wait3A_27 : memref<1x80x128xi32, #tpu.memory_space<hbm>> -> memref<80x128xi32, #tpu.memory_space<hbm>>
      tpu.wait_dma2 semaphore(%run_scoped3A : memref<!tpu.dma_semaphore, #tpu.memory_space<semaphore_mem>>) src(%dma_wait3A_28 : memref<80x128xi32, #tpu.memory_space<hbm>>) dst(%arg8 : memref<80x128xi32, #tpu.memory_space<vmem>>)
      tpu.yield
    }) : () -> ()
    %barrier3A = arith.constant 0 : index
    tpu.barrier barrier_id(%barrier3A)
    %scan3A = arith.constant 0 : i32
    %scan3A_5 = arith.constant 0 : i32
    %scan3A_6 = arith.constant 40 : i32
    %scan3A_7 = arith.addi %scan3A_5, %scan3A_6 : i32
    %scan3A_8 = arith.constant 1 : i32
    scf.for %scan3A_15 = %scan3A_5 to %scan3A_7 step %scan3A_8  : i32 {
      %mul3A_16 = arith.constant 2 : i32
      %mul3A_17 = arith.muli %mul3A_16, %scan3A_15 : i32
      %dma_start3A = arith.constant 0 : i32
      %dma_start3A_18 = tpu.memref_slice %arg7[%mul3A_17, %dma_start3A] : memref<80x128xi32, #tpu.memory_space<vmem>> -> memref<1x128xi32, #tpu.memory_space<vmem>>
      %dma_start3A_19 = tpu.memref_squeeze %dma_start3A_18 : memref<1x128xi32, #tpu.memory_space<vmem>> -> memref<128xi32, #tpu.memory_space<vmem>>
      %dma_start3A_20 = arith.constant 0 : i32
      %dma_start3A_21 = arith.constant 0 : i32
      %dma_start3A_22 = tpu.memref_slice %arg2[%dma_start3A_20, %dma_start3A_21] : memref<10000x32xf32, #tpu.memory_space<hbm>> -> memref<10000x32xf32, #tpu.memory_space<hbm>>
      tpu.enqueue_indirect_dma source(%dma_start3A_22 : memref<10000x32xf32, #tpu.memory_space<hbm>>) target(%arg9 : memref<128x32xf32, #tpu.memory_space<vmem>>) offsets(%dma_start3A_19 : memref<128xi32, #tpu.memory_space<vmem>>) semaphore(%arg12 : memref<!tpu.dma_semaphore, #tpu.memory_space<semaphore_mem>>)
      %add3A_23 = arith.constant 1 : i32
      %add3A_24 = arith.addi %mul3A_17, %add3A_23 : i32
      %dma_start3A_25 = arith.constant 0 : i32
      %dma_start3A_26 = tpu.memref_slice %arg7[%add3A_24, %dma_start3A_25] : memref<80x128xi32, #tpu.memory_space<vmem>> -> memref<1x128xi32, #tpu.memory_space<vmem>>
      %dma_start3A_27 = tpu.memref_squeeze %dma_start3A_26 : memref<1x128xi32, #tpu.memory_space<vmem>> -> memref<128xi32, #tpu.memory_space<vmem>>
      %dma_start3A_28 = arith.constant 0 : i32
      %dma_start3A_29 = arith.constant 0 : i32
      %dma_start3A_30 = tpu.memref_slice %arg2[%dma_start3A_28, %dma_start3A_29] : memref<10000x32xf32, #tpu.memory_space<hbm>> -> memref<10000x32xf32, #tpu.memory_space<hbm>>
      tpu.enqueue_indirect_dma source(%dma_start3A_30 : memref<10000x32xf32, #tpu.memory_space<hbm>>) target(%arg10 : memref<128x32xf32, #tpu.memory_space<vmem>>) offsets(%dma_start3A_27 : memref<128xi32, #tpu.memory_space<vmem>>) semaphore(%arg13 : memref<!tpu.dma_semaphore, #tpu.memory_space<semaphore_mem>>)
      %dma_wait3A = arith.constant 0 : i32
      %dma_wait3A_31 = tpu.memref_slice %arg7[%mul3A_17, %dma_wait3A] : memref<80x128xi32, #tpu.memory_space<vmem>> -> memref<1x128xi32, #tpu.memory_space<vmem>>
      %dma_wait3A_32 = tpu.memref_squeeze %dma_wait3A_31 : memref<1x128xi32, #tpu.memory_space<vmem>> -> memref<128xi32, #tpu.memory_space<vmem>>
      %dma_wait3A_33 = arith.constant 0 : i32
      %dma_wait3A_34 = arith.constant 0 : i32
      %dma_wait3A_35 = tpu.memref_slice %arg2[%dma_wait3A_33, %dma_wait3A_34] : memref<10000x32xf32, #tpu.memory_space<hbm>> -> memref<10000x32xf32, #tpu.memory_space<hbm>>
      tpu.wait_indirect_dma semaphore(%arg12 : memref<!tpu.dma_semaphore, #tpu.memory_space<semaphore_mem>>) src(%dma_wait3A_35 : memref<10000x32xf32, #tpu.memory_space<hbm>>) dst(%arg9 : memref<128x32xf32, #tpu.memory_space<vmem>>)
      "tpu.region"() ({
        %run_scoped3A = tpu.sem_alloc : memref<!tpu.dma_semaphore, #tpu.memory_space<semaphore_mem>>
        %dma_start3A_44 = arith.constant 0 : i32
        %dma_start3A_45 = tpu.memref_slice %arg8[%mul3A_17, %dma_start3A_44] : memref<80x128xi32, #tpu.memory_space<vmem>> -> memref<1x128xi32, #tpu.memory_space<vmem>>
        %dma_start3A_46 = tpu.memref_squeeze %dma_start3A_45 : memref<1x128xi32, #tpu.memory_space<vmem>> -> memref<128xi32, #tpu.memory_space<vmem>>
        %dma_start3A_47 = arith.constant 0 : i32
        %dma_start3A_48 = arith.constant 0 : i32
        %dma_start3A_49 = tpu.memref_slice %arg11[%dma_start3A_47, %dma_start3A_48] : memref<10112x32xf32, #tpu.memory_space<vmem_shared>> -> memref<10112x32xf32, #tpu.memory_space<vmem_shared>>
        tpu.enqueue_indirect_dma source(%arg9 : memref<128x32xf32, #tpu.memory_space<vmem>>) target(%dma_start3A_49 : memref<10112x32xf32, #tpu.memory_space<vmem_shared>>) offsets(%dma_start3A_46 : memref<128xi32, #tpu.memory_space<vmem>>) semaphore(%run_scoped3A : memref<!tpu.dma_semaphore, #tpu.memory_space<semaphore_mem>>) {add = true}
        %dma_wait3A_50 = arith.constant 0 : i32
        %dma_wait3A_51 = tpu.memref_slice %arg8[%mul3A_17, %dma_wait3A_50] : memref<80x128xi32, #tpu.memory_space<vmem>> -> memref<1x128xi32, #tpu.memory_space<vmem>>
        %dma_wait3A_52 = tpu.memref_squeeze %dma_wait3A_51 : memref<1x128xi32, #tpu.memory_space<vmem>> -> memref<128xi32, #tpu.memory_space<vmem>>
        %dma_wait3A_53 = arith.constant 0 : i32
        %dma_wait3A_54 = arith.constant 0 : i32
        %dma_wait3A_55 = tpu.memref_slice %arg11[%dma_wait3A_53, %dma_wait3A_54] : memref<10112x32xf32, #tpu.memory_space<vmem_shared>> -> memref<10112x32xf32, #tpu.memory_space<vmem_shared>>
        tpu.wait_indirect_dma semaphore(%run_scoped3A : memref<!tpu.dma_semaphore, #tpu.memory_space<semaphore_mem>>) src(%arg9 : memref<128x32xf32, #tpu.memory_space<vmem>>) dst(%dma_wait3A_55 : memref<10112x32xf32, #tpu.memory_space<vmem_shared>>)
        tpu.yield
      }) : () -> ()
      %dma_wait3A_36 = arith.constant 0 : i32
      %dma_wait3A_37 = tpu.memref_slice %arg7[%add3A_24, %dma_wait3A_36] : memref<80x128xi32, #tpu.memory_space<vmem>> -> memref<1x128xi32, #tpu.memory_space<vmem>>
      %dma_wait3A_38 = tpu.memref_squeeze %dma_wait3A_37 : memref<1x128xi32, #tpu.memory_space<vmem>> -> memref<128xi32, #tpu.memory_space<vmem>>
      %dma_wait3A_39 = arith.constant 0 : i32
      %dma_wait3A_40 = arith.constant 0 : i32
      %dma_wait3A_41 = tpu.memref_slice %arg2[%dma_wait3A_39, %dma_wait3A_40] : memref<10000x32xf32, #tpu.memory_space<hbm>> -> memref<10000x32xf32, #tpu.memory_space<hbm>>
      tpu.wait_indirect_dma semaphore(%arg13 : memref<!tpu.dma_semaphore, #tpu.memory_space<semaphore_mem>>) src(%dma_wait3A_41 : memref<10000x32xf32, #tpu.memory_space<hbm>>) dst(%arg10 : memref<128x32xf32, #tpu.memory_space<vmem>>)
      %add3A_42 = arith.constant 1 : i32
      %add3A_43 = arith.addi %mul3A_17, %add3A_42 : i32
      "tpu.region"() ({
        %run_scoped3A = tpu.sem_alloc : memref<!tpu.dma_semaphore, #tpu.memory_space<semaphore_mem>>
        %dma_start3A_44 = arith.constant 0 : i32
        %dma_start3A_45 = tpu.memref_slice %arg8[%add3A_43, %dma_start3A_44] : memref<80x128xi32, #tpu.memory_space<vmem>> -> memref<1x128xi32, #tpu.memory_space<vmem>>
        %dma_start3A_46 = tpu.memref_squeeze %dma_start3A_45 : memref<1x128xi32, #tpu.memory_space<vmem>> -> memref<128xi32, #tpu.memory_space<vmem>>
        %dma_start3A_47 = arith.constant 0 : i32
        %dma_start3A_48 = arith.constant 0 : i32
        %dma_start3A_49 = tpu.memref_slice %arg11[%dma_start3A_47, %dma_start3A_48] : memref<10112x32xf32, #tpu.memory_space<vmem_shared>> -> memref<10112x32xf32, #tpu.memory_space<vmem_shared>>
        tpu.enqueue_indirect_dma source(%arg10 : memref<128x32xf32, #tpu.memory_space<vmem>>) target(%dma_start3A_49 : memref<10112x32xf32, #tpu.memory_space<vmem_shared>>) offsets(%dma_start3A_46 : memref<128xi32, #tpu.memory_space<vmem>>) semaphore(%run_scoped3A : memref<!tpu.dma_semaphore, #tpu.memory_space<semaphore_mem>>) {add = true}
        %dma_wait3A_50 = arith.constant 0 : i32
        %dma_wait3A_51 = tpu.memref_slice %arg8[%add3A_43, %dma_wait3A_50] : memref<80x128xi32, #tpu.memory_space<vmem>> -> memref<1x128xi32, #tpu.memory_space<vmem>>
        %dma_wait3A_52 = tpu.memref_squeeze %dma_wait3A_51 : memref<1x128xi32, #tpu.memory_space<vmem>> -> memref<128xi32, #tpu.memory_space<vmem>>
        %dma_wait3A_53 = arith.constant 0 : i32
        %dma_wait3A_54 = arith.constant 0 : i32
        %dma_wait3A_55 = tpu.memref_slice %arg11[%dma_wait3A_53, %dma_wait3A_54] : memref<10112x32xf32, #tpu.memory_space<vmem_shared>> -> memref<10112x32xf32, #tpu.memory_space<vmem_shared>>
        tpu.wait_indirect_dma semaphore(%run_scoped3A : memref<!tpu.dma_semaphore, #tpu.memory_space<semaphore_mem>>) src(%arg10 : memref<128x32xf32, #tpu.memory_space<vmem>>) dst(%dma_wait3A_55 : memref<10112x32xf32, #tpu.memory_space<vmem_shared>>)
        tpu.yield
      }) : () -> ()
    }
    %scan3A_9 = arith.constant 40 : i32
    %barrier3A_10 = arith.constant 0 : index
    tpu.barrier barrier_id(%barrier3A_10)
    %mul3A_11 = arith.constant 632 : i32
    %mul3A_12 = arith.muli %arg1, %mul3A_11 : i32
    %mul3A_13 = arith.constant 632 : i32
    %mul3A_14 = arith.muli %arg1, %mul3A_13 : i32
    "tpu.region"() ({
      %run_scoped3A = tpu.sem_alloc : memref<!tpu.dma_semaphore, #tpu.memory_space<semaphore_mem>>
      %dma_start3A = arith.constant 0 : i32
      %dma_start3A_15 = tpu.memref_slice %arg6[%arg0, %mul3A_14, %dma_start3A] : memref<2x10112x32xf32, #tpu.memory_space<hbm>> -> memref<1x632x32xf32, #tpu.memory_space<hbm>>
      %dma_start3A_16 = tpu.memref_squeeze %dma_start3A_15 : memref<1x632x32xf32, #tpu.memory_space<hbm>> -> memref<632x32xf32, #tpu.memory_space<hbm>>
      %dma_start3A_17 = arith.constant 0 : i32
      %dma_start3A_18 = tpu.memref_slice %arg11[%mul3A_12, %dma_start3A_17] : memref<10112x32xf32, #tpu.memory_space<vmem_shared>> -> memref<632x32xf32, #tpu.memory_space<vmem_shared>>
      tpu.enqueue_dma source(%dma_start3A_18 : memref<632x32xf32, #tpu.memory_space<vmem_shared>>) target(%dma_start3A_16 : memref<632x32xf32, #tpu.memory_space<hbm>>) target_semaphore(%run_scoped3A : memref<!tpu.dma_semaphore, #tpu.memory_space<semaphore_mem>>)
      %dma_wait3A = arith.constant 0 : i32
      %dma_wait3A_19 = tpu.memref_slice %arg6[%arg0, %mul3A_14, %dma_wait3A] : memref<2x10112x32xf32, #tpu.memory_space<hbm>> -> memref<1x632x32xf32, #tpu.memory_space<hbm>>
      %dma_wait3A_20 = tpu.memref_squeeze %dma_wait3A_19 : memref<1x632x32xf32, #tpu.memory_space<hbm>> -> memref<632x32xf32, #tpu.memory_space<hbm>>
      %dma_wait3A_21 = arith.constant 0 : i32
      %dma_wait3A_22 = tpu.memref_slice %arg11[%mul3A_12, %dma_wait3A_21] : memref<10112x32xf32, #tpu.memory_space<vmem_shared>> -> memref<632x32xf32, #tpu.memory_space<vmem_shared>>
      tpu.wait_dma2 semaphore(%run_scoped3A : memref<!tpu.dma_semaphore, #tpu.memory_space<semaphore_mem>>) src(%dma_wait3A_22 : memref<632x32xf32, #tpu.memory_space<vmem_shared>>) dst(%dma_wait3A_20 : memref<632x32xf32, #tpu.memory_space<hbm>>)
      tpu.yield
    }) : () -> ()
    return
  }
}

module attributes {stable_mosaic.version = 14 : i64} {
  func.func @_stage0_body(%arg0: memref<10000x128xf32, #tpu.memory_space<vmem>>, %arg1: memref<128x32xf32, #tpu.memory_space<vmem>>, %arg2: memref<128x32xf32, #tpu.memory_space<vmem>>, %arg3: memref<1x32xf32, #tpu.memory_space<vmem>>, %arg4: memref<10000x32xf32, #tpu.memory_space<vmem>>, %arg5: memref<10000x32xf32, #tpu.memory_space<vmem>>) attributes {dimension_semantics = [], scalar_prefetch = 0 : i64, scratch_operands = 0 : i64, tpu.core_type = #tpu.core_type<tc>} {
    %get3A = arith.constant 0 : index
    %get3A_0 = arith.constant 0 : index
    %get3A_1 = vector.load %arg0[%get3A, %get3A_0] : memref<10000x128xf32, #tpu.memory_space<vmem>>, vector<10000x128xf32>
    %get3A_2 = arith.constant 0 : index
    %get3A_3 = arith.constant 0 : index
    %get3A_4 = vector.load %arg1[%get3A_2, %get3A_3] : memref<128x32xf32, #tpu.memory_space<vmem>>, vector<128x32xf32>
    %dot_general3A = arith.constant dense<0.000000e+00> : vector<10000x32xf32>
    %dot_general3A_5 = tpu.matmul %get3A_1, %get3A_4, %dot_general3A {dimension_numbers = #tpu.dot_dimension_numbers<[1], [0], [0], [1], [0, 0, 1, 1], [], []>, transpose_lhs_hint = false} : vector<10000x128xf32>, vector<128x32xf32>, vector<10000x32xf32> -> vector<10000x32xf32>
    %swap3A = arith.constant 0 : index
    %swap3A_6 = arith.constant 0 : index
    %swap3A_7 = vector.load %arg4[%swap3A, %swap3A_6] : memref<10000x32xf32, #tpu.memory_space<vmem>>, vector<10000x32xf32>
    tpu.vector_store %arg4[%swap3A, %swap3A_6], %dot_general3A_5 {strides = array<i32>} : memref<10000x32xf32, #tpu.memory_space<vmem>>, vector<10000x32xf32>,
    %get3A_8 = arith.constant 0 : index
    %get3A_9 = arith.constant 0 : index
    %get3A_10 = vector.load %arg2[%get3A_8, %get3A_9] : memref<128x32xf32, #tpu.memory_space<vmem>>, vector<128x32xf32>
    %dot_general3A_11 = arith.constant dense<0.000000e+00> : vector<10000x32xf32>
    %dot_general3A_12 = tpu.matmul %get3A_1, %get3A_10, %dot_general3A_11 {dimension_numbers = #tpu.dot_dimension_numbers<[1], [0], [0], [1], [0, 0, 1, 1], [], []>, transpose_lhs_hint = false} : vector<10000x128xf32>, vector<128x32xf32>, vector<10000x32xf32> -> vector<10000x32xf32>
    %get3A_13 = arith.constant 0 : index
    %get3A_14 = arith.constant 0 : index
    %get3A_15 = vector.load %arg3[%get3A_13, %get3A_14] : memref<1x32xf32, #tpu.memory_space<vmem>>, vector<1x32xf32>
    %add3A = vector.broadcast %get3A_15 : vector<1x32xf32> to vector<10000x32xf32>
    %add3A_16 = arith.addf %dot_general3A_12, %add3A : vector<10000x32xf32>
    %swap3A_17 = arith.constant 0 : index
    %swap3A_18 = arith.constant 0 : index
    %swap3A_19 = vector.load %arg5[%swap3A_17, %swap3A_18] : memref<10000x32xf32, #tpu.memory_space<vmem>>, vector<10000x32xf32>
    tpu.vector_store %arg5[%swap3A_17, %swap3A_18], %add3A_16 {strides = array<i32>} : memref<10000x32xf32, #tpu.memory_space<vmem>>, vector<10000x32xf32>,
    return
  }
}

module attributes {stable_mosaic.version = 14 : i64} {
  func.func @_stage_mid_body(%arg0: memref<2x10112x32xf32, #tpu.memory_space<vmem>>, %arg1: memref<10000x32xf32, #tpu.memory_space<vmem>>, %arg2: memref<32x32xf32, #tpu.memory_space<vmem>>, %arg3: memref<32x32xf32, #tpu.memory_space<vmem>>, %arg4: memref<1x32xf32, #tpu.memory_space<vmem>>, %arg5: memref<10000x32xf32, #tpu.memory_space<vmem>>, %arg6: memref<10000x32xf32, #tpu.memory_space<vmem>>) attributes {dimension_semantics = [], scalar_prefetch = 0 : i64, scratch_operands = 0 : i64, tpu.core_type = #tpu.core_type<tc>} {
    %get3A = arith.constant 0 : index
    %get3A_0 = arith.constant 0 : index
    %get3A_1 = arith.constant 0 : index
    %get3A_2 = vector.load %arg0[%get3A, %get3A_0, %get3A_1] : memref<2x10112x32xf32, #tpu.memory_space<vmem>>, vector<1x10000x32xf32>
    %get3A_3 = vector.shape_cast %get3A_2 : vector<1x10000x32xf32> to vector<10000x32xf32>
    %get3A_4 = arith.constant 1 : index
    %get3A_5 = arith.constant 0 : index
    %get3A_6 = arith.constant 0 : index
    %get3A_7 = vector.load %arg0[%get3A_4, %get3A_5, %get3A_6] : memref<2x10112x32xf32, #tpu.memory_space<vmem>>, vector<1x10000x32xf32>
    %get3A_8 = vector.shape_cast %get3A_7 : vector<1x10000x32xf32> to vector<10000x32xf32>
    %add3A = arith.addf %get3A_3, %get3A_8 : vector<10000x32xf32>
    %get3A_9 = arith.constant 0 : index
    %get3A_10 = arith.constant 0 : index
    %get3A_11 = vector.load %arg1[%get3A_9, %get3A_10] : memref<10000x32xf32, #tpu.memory_space<vmem>>, vector<10000x32xf32>
    %add3A_12 = arith.addf %add3A, %get3A_11 : vector<10000x32xf32>
    %gt3A = arith.constant 0.000000e+00 : f32
    %gt3A_13 = vector.broadcast %gt3A : f32 to vector<10000x32xf32>
    %gt3A_14 = arith.cmpf ogt, %add3A_12, %gt3A_13 : vector<10000x32xf32>
    %exp3A = math.exp %add3A_12 : vector<10000x32xf32>
    %sub3A = arith.constant 1.000000e+00 : f32
    %sub3A_15 = vector.broadcast %sub3A : f32 to vector<10000x32xf32>
    %sub3A_16 = arith.subf %exp3A, %sub3A_15 : vector<10000x32xf32>
    %select_n3A = arith.select %gt3A_14, %add3A_12, %sub3A_16 : vector<10000x32xi1>, vector<10000x32xf32>
    %get3A_17 = arith.constant 0 : index
    %get3A_18 = arith.constant 0 : index
    %get3A_19 = vector.load %arg2[%get3A_17, %get3A_18] : memref<32x32xf32, #tpu.memory_space<vmem>>, vector<32x32xf32>
    %dot_general3A = arith.constant dense<0.000000e+00> : vector<10000x32xf32>
    %dot_general3A_20 = tpu.matmul %select_n3A, %get3A_19, %dot_general3A {dimension_numbers = #tpu.dot_dimension_numbers<[1], [0], [0], [1], [0, 0, 1, 1], [], []>, transpose_lhs_hint = false} : vector<10000x32xf32>, vector<32x32xf32>, vector<10000x32xf32> -> vector<10000x32xf32>
    %swap3A = arith.constant 0 : index
    %swap3A_21 = arith.constant 0 : index
    %swap3A_22 = vector.load %arg5[%swap3A, %swap3A_21] : memref<10000x32xf32, #tpu.memory_space<vmem>>, vector<10000x32xf32>
    tpu.vector_store %arg5[%swap3A, %swap3A_21], %dot_general3A_20 {strides = array<i32>} : memref<10000x32xf32, #tpu.memory_space<vmem>>, vector<10000x32xf32>,
    %get3A_23 = arith.constant 0 : index
    %get3A_24 = arith.constant 0 : index
    %get3A_25 = vector.load %arg3[%get3A_23, %get3A_24] : memref<32x32xf32, #tpu.memory_space<vmem>>, vector<32x32xf32>
    %dot_general3A_26 = arith.constant dense<0.000000e+00> : vector<10000x32xf32>
    %dot_general3A_27 = tpu.matmul %select_n3A, %get3A_25, %dot_general3A_26 {dimension_numbers = #tpu.dot_dimension_numbers<[1], [0], [0], [1], [0, 0, 1, 1], [], []>, transpose_lhs_hint = false} : vector<10000x32xf32>, vector<32x32xf32>, vector<10000x32xf32> -> vector<10000x32xf32>
    %get3A_28 = arith.constant 0 : index
    %get3A_29 = arith.constant 0 : index
    %get3A_30 = vector.load %arg4[%get3A_28, %get3A_29] : memref<1x32xf32, #tpu.memory_space<vmem>>, vector<1x32xf32>
    %add3A_31 = vector.broadcast %get3A_30 : vector<1x32xf32> to vector<10000x32xf32>
    %add3A_32 = arith.addf %dot_general3A_27, %add3A_31 : vector<10000x32xf32>
    %swap3A_33 = arith.constant 0 : index
    %swap3A_34 = arith.constant 0 : index
    %swap3A_35 = vector.load %arg6[%swap3A_33, %swap3A_34] : memref<10000x32xf32, #tpu.memory_space<vmem>>, vector<10000x32xf32>
    tpu.vector_store %arg6[%swap3A_33, %swap3A_34], %add3A_32 {strides = array<i32>} : memref<10000x32xf32, #tpu.memory_space<vmem>>, vector<10000x32xf32>,
    return
  }
}

module attributes {stable_mosaic.version = 14 : i64} {
  func.func @_stage_fin_body(%arg0: memref<2x10112x32xf32, #tpu.memory_space<vmem>>, %arg1: memref<10000x32xf32, #tpu.memory_space<vmem>>, %arg2: memref<1x10000xf32, #tpu.memory_space<vmem>>, %arg3: memref<32x2xf32, #tpu.memory_space<vmem>>, %arg4: memref<1x2xf32, #tpu.memory_space<vmem>>, %arg5: memref<64x2xf32, #tpu.memory_space<vmem>>) attributes {dimension_semantics = [], scalar_prefetch = 0 : i64, scratch_operands = 0 : i64, tpu.core_type = #tpu.core_type<tc>} {
    %get3A = arith.constant 0 : index
    %get3A_0 = arith.constant 0 : index
    %get3A_1 = arith.constant 0 : index
    %get3A_2 = vector.load %arg0[%get3A, %get3A_0, %get3A_1] : memref<2x10112x32xf32, #tpu.memory_space<vmem>>, vector<1x10000x32xf32>
    %get3A_3 = vector.shape_cast %get3A_2 : vector<1x10000x32xf32> to vector<10000x32xf32>
    %get3A_4 = arith.constant 1 : index
    %get3A_5 = arith.constant 0 : index
    %get3A_6 = arith.constant 0 : index
    %get3A_7 = vector.load %arg0[%get3A_4, %get3A_5, %get3A_6] : memref<2x10112x32xf32, #tpu.memory_space<vmem>>, vector<1x10000x32xf32>
    %get3A_8 = vector.shape_cast %get3A_7 : vector<1x10000x32xf32> to vector<10000x32xf32>
    %add3A = arith.addf %get3A_3, %get3A_8 : vector<10000x32xf32>
    %get3A_9 = arith.constant 0 : index
    %get3A_10 = arith.constant 0 : index
    %get3A_11 = vector.load %arg1[%get3A_9, %get3A_10] : memref<10000x32xf32, #tpu.memory_space<vmem>>, vector<10000x32xf32>
    %add3A_12 = arith.addf %add3A, %get3A_11 : vector<10000x32xf32>
    %gt3A = arith.constant 0.000000e+00 : f32
    %gt3A_13 = vector.broadcast %gt3A : f32 to vector<10000x32xf32>
    %gt3A_14 = arith.cmpf ogt, %add3A_12, %gt3A_13 : vector<10000x32xf32>
    %exp3A = math.exp %add3A_12 : vector<10000x32xf32>
    %sub3A = arith.constant 1.000000e+00 : f32
    %sub3A_15 = vector.broadcast %sub3A : f32 to vector<10000x32xf32>
    %sub3A_16 = arith.subf %exp3A, %sub3A_15 : vector<10000x32xf32>
    %select_n3A = arith.select %gt3A_14, %add3A_12, %sub3A_16 : vector<10000x32xi1>, vector<10000x32xf32>
    %iota3A = tpu.iota {dimensions = array<i32: 0>} : vector<64x10000xi32>
    %convert_element_type3A = arith.sitofp %iota3A : vector<64x10000xi32> to vector<64x10000xf32>
    %get3A_17 = arith.constant 0 : index
    %get3A_18 = arith.constant 0 : index
    %get3A_19 = vector.load %arg2[%get3A_17, %get3A_18] : memref<1x10000xf32, #tpu.memory_space<vmem>>, vector<1x10000xf32>
    %eq3A = vector.broadcast %get3A_19 : vector<1x10000xf32> to vector<64x10000xf32>
    %eq3A_20 = arith.cmpf oeq, %convert_element_type3A, %eq3A : vector<64x10000xf32>
    %convert_element_type3A_21 = arith.extui %eq3A_20 : vector<64x10000xi1> to vector<64x10000xi32>
    %convert_element_type3A_22 = arith.sitofp %convert_element_type3A_21 : vector<64x10000xi32> to vector<64x10000xf32>
    %dot_general3A = arith.constant dense<0.000000e+00> : vector<64x32xf32>
    %dot_general3A_23 = tpu.matmul %convert_element_type3A_22, %select_n3A, %dot_general3A {dimension_numbers = #tpu.dot_dimension_numbers<[1], [0], [0], [1], [0, 0, 1, 1], [], []>, transpose_lhs_hint = false} : vector<64x10000xf32>, vector<10000x32xf32>, vector<64x32xf32> -> vector<64x32xf32>
    %reduce_sum3A = arith.constant dense<0.000000e+00> : vector<64xf32>
    %reduce_sum3A_24 = vector.multi_reduction <add>, %convert_element_type3A_22, %reduce_sum3A [1] : vector<64x10000xf32> to vector<64xf32>
    %broadcast_in_dim3A = vector.shape_cast %reduce_sum3A_24 : vector<64xf32> to vector<64x1xf32>
    %max3A = arith.constant 1.000000e+00 : f32
    %max3A_25 = vector.broadcast %max3A : f32 to vector<64x1xf32>
    %max3A_26 = arith.maximumf %broadcast_in_dim3A, %max3A_25 : vector<64x1xf32>
    %div3A = vector.broadcast %max3A_26 : vector<64x1xf32> to vector<64x32xf32>
    %div3A_27 = arith.divf %dot_general3A_23, %div3A : vector<64x32xf32>
    %get3A_28 = arith.constant 0 : index
    %get3A_29 = arith.constant 0 : index
    %get3A_30 = vector.load %arg3[%get3A_28, %get3A_29] : memref<32x2xf32, #tpu.memory_space<vmem>>, vector<32x2xf32>
    %dot_general3A_31 = arith.constant dense<0.000000e+00> : vector<64x2xf32>
    %dot_general3A_32 = tpu.matmul %div3A_27, %get3A_30, %dot_general3A_31 {dimension_numbers = #tpu.dot_dimension_numbers<[1], [0], [0], [1], [0, 0, 1, 1], [], []>, transpose_lhs_hint = false} : vector<64x32xf32>, vector<32x2xf32>, vector<64x2xf32> -> vector<64x2xf32>
    %get3A_33 = arith.constant 0 : index
    %get3A_34 = arith.constant 0 : index
    %get3A_35 = vector.load %arg4[%get3A_33, %get3A_34] : memref<1x2xf32, #tpu.memory_space<vmem>>, vector<1x2xf32>
    %add3A_36 = vector.broadcast %get3A_35 : vector<1x2xf32> to vector<64x2xf32>
    %add3A_37 = arith.addf %dot_general3A_32, %add3A_36 : vector<64x2xf32>
    %reduce_max3A = arith.constant dense<0xFF800000> : vector<64xf32>
    %reduce_max3A_38 = vector.multi_reduction <maximumf>, %add3A_37, %reduce_max3A [1] : vector<64x2xf32> to vector<64xf32>
    %broadcast_in_dim3A_39 = vector.shape_cast %reduce_max3A_38 : vector<64xf32> to vector<64x1xf32>
    %sub3A_40 = vector.broadcast %broadcast_in_dim3A_39 : vector<64x1xf32> to vector<64x2xf32>
    %sub3A_41 = arith.subf %add3A_37, %sub3A_40 : vector<64x2xf32>
    %exp3A_42 = math.exp %sub3A_41 : vector<64x2xf32>
    %sub3A_43 = vector.broadcast %broadcast_in_dim3A_39 : vector<64x1xf32> to vector<64x2xf32>
    %sub3A_44 = arith.subf %add3A_37, %sub3A_43 : vector<64x2xf32>
    %reduce_sum3A_45 = arith.constant dense<0.000000e+00> : vector<64xf32>
    %reduce_sum3A_46 = vector.multi_reduction <add>, %exp3A_42, %reduce_sum3A_45 [1] : vector<64x2xf32> to vector<64xf32>
    %broadcast_in_dim3A_47 = vector.shape_cast %reduce_sum3A_46 : vector<64xf32> to vector<64x1xf32>
    %log3A = math.log %broadcast_in_dim3A_47 : vector<64x1xf32>
    %sub3A_48 = vector.broadcast %log3A : vector<64x1xf32> to vector<64x2xf32>
    %sub3A_49 = arith.subf %sub3A_44, %sub3A_48 : vector<64x2xf32>
    %swap3A = arith.constant 0 : index
    %swap3A_50 = arith.constant 0 : index
    %swap3A_51 = vector.load %arg5[%swap3A, %swap3A_50] : memref<64x2xf32, #tpu.memory_space<vmem>>, vector<64x2xf32>
    tpu.vector_store %arg5[%swap3A, %swap3A_50], %sub3A_49 {strides = array<i32>} : memref<64x2xf32, #tpu.memory_space<vmem>>, vector<64x2xf32>,
    return
  }
}

</mosaic_0001>

<sc_bundles>
// kernel: kernel.12.cloned.1.call-start
scs
__scs_entry_jumppad:
0x0: {  	(pc) =	sbr.rel $0x88, $3  }
0x1: {  	(tag) =	ssettag $0x0;
	lr =	simm.s32 $0x1  }
0x2: {  	[smem:$0x3F90] =	sst lr;
	_ =	strace $0xD0000000  }
0x3: {  	_ = 	snop  }
0x4: {  	_ = 	snop  }
0x5: {  	_ = 	snop  }
0x6: {  	_ = 	snop  }
0x7: {  	_ = 	snop  }
__scs_overlays_trampoline_lowered:
0x8: {  	[smem:$0x3F9F] =	sst s0  }
0x9: {  	[smem:$0x3FA0] =	sst s1  }
0xa: {  	[smem:$0x3FA1] =	sst s2  }
0xb: {  	[smem:$0x3FA2] =	sst s3  }
0xc: {  	[smem:$0x3FA3] =	sst s4  }
0xd: {  	[smem:$0x3FA4] =	sst s5  }
0xe: {  	[smem:$0x3FA5] =	sst s6  }
0xf: {  	[smem:$0x3FA6] =	sst s7  }
0x10: {  	[smem:$0x3FA7] =	sst s8  }
0x11: {  	[smem:$0x3FA8] =	sst s9;
	s0 =	simm.s32 @!p0 $0x0  }
0x12: {  	s1 =	sld [smem:$0x3F8E];
	s0 =	simm.s32 @p0 $0x1  }
0x13: {  	[smem:$0x3FA9] =	sst s0;
	s0 =	simm.s32 @!p1 $0x0  }
0x14: {  	s2 =	sld [smem:$0x3F8D];
	s0 =	simm.s32 @p1 $0x1  }
0x15: {  	[smem:$0x3FAA] =	sst s0;
	s0 =	simm.s32 @!p2 $0x0  }
0x16: {  	s3 =	sld [smem:$0x3FDB];
	s0 =	simm.s32 @p2 $0x1  }
0x17: {  	s4 =	simm.s32 $0x1BF5;
	[smem:$0x3FAC] =	sst s0  }
0x18: {  	s0 =	sld [smem:$0x3F8F];
	_ =	swait.ge [sflag:s4], $0x0  }
0x19: {  	s7 =	sld [smem:$0x3F90]  }
0x1a: {  	s8 =	sadd.s32 $0xFFFFE003, lr  }
0x1b: {  	s9 =	sadd.s32 $0xFFFFFEF7, lr;
	s5 =	simm.s32 $0xFFFFFFFF;
	p2 =	slt.u32 s8, $0xFFFFF086  }
0x1c: {  	p1 =	slt.u32 s9, $0xF7A;
	s5 =	simm.s32 @!p2 $0x0  }
0x1d: {  	s5 =	simm.s32 @p1 $0x1;
	p0 =	seq.s32 s7, s2  }
0x1e: {  	s7 =	smul.u32 @!p0 $0xF7A, s2;
	p2 =	seq.s32 @!p0 s5, $0x0  }
0x1f: {  	s9 =	smul.u32 $0xF7A, s1;
	s8 =	simm.s32 @!p0 $0x1BF5;
	p2 =	por !p2, p0  }
0x20: {  	[sflag:s8] =	ssyncset.s32 @!p0 $0xFFFFF086;
	s6 =	sadd.s32 @!p0 s3, s7;
	s7 =	simm.s32 @!p0 $0x108  }
0x21: {  	s3 =	sadd.s32 s3, s9;
	s6 =	sadd.s32 @!p0 $0x88, s6;
	s7 =	simm.s32 @p2 $0x1082  }
0x22: {  	[simem:s7], [sflag:s8] =	dma.local @!p0 [hbm:s6], $0xF7A  }
0x23: {  	s9 =	sor.u32 $0xD0000000, s2;
	s6 =	simm.s32 $0x108;
	_ =	swait.ge @!p0 [sflag:s8], $0x0  }
0x24: {  	s3 =	sadd.s32 $0x88, s3;
	s6 =	simm.s32 @!p1 $0x1082;
	[sflag:s4] =	ssyncset.s32 $0xFFFFF086  }
0x25: {  	[simem:s6], [sflag:s4] =	dma.local [hbm:s3], $0xF7A  }
0x26: {  	[smem:$0x3F90] =	sst s1;
	(tag) =	ssettag s2;
	_ =	strace s9  }
0x27: {  	s1 =	sld [smem:$0x3FA0]  }
0x28: {  	s2 =	sld [smem:$0x3FA1]  }
0x29: {  	s4 =	sld [smem:$0x3FA3]  }
0x2a: {  	p0 =	seq.s32 s5, $0x0;
	s5 =	sld [smem:$0x3FA4]  }
0x2b: {  	s6 =	sld [smem:$0x3FA5]  }
0x2c: {  	s7 =	sld [smem:$0x3FA6]  }
0x2d: {  	s3 =	simm.s32 $0x108;
	s8 =	sld [smem:$0x3FA7]  }
0x2e: {  	s3 =	simm.s32 @!p0 $0x1082;
	s9 =	sld [smem:$0x3FA8]  }
0x2f: {  	lr =	sadd.s32 s0, s3;
	s0 =	sld [smem:$0x3F9F]  }
0x30: {  	s3 =	sld [smem:$0x3FA2]  }
0x31: {  	[smem:$0x3FAB] =	sst s10  }
0x32: {  	s10 =	sld [smem:$0x3FA9];
	_ =	sdelay $0x3  }
0x33: {  	p0 =	seq.s32 s10, $0x1;
	s10 =	sld [smem:$0x3FAB];
	_ =	sdelay $0x3  }
0x34: {  	[smem:$0x3FAB] =	sst s10  }
0x35: {  	s10 =	sld [smem:$0x3FAA];
	_ =	sdelay $0x3  }
0x36: {  	p1 =	seq.s32 s10, $0x1;
	s10 =	sld [smem:$0x3FAB];
	_ =	sdelay $0x3  }
0x37: {  	[smem:$0x3FAB] =	sst s10  }
0x38: {  	s10 =	sld [smem:$0x3FAC]  }
0x39: {  	_ = 	snop;
	(pc) =	sbr.ind lr, $3  }
0x3a: {  	_ = 	snop  }
0x3b: {  	_ = 	snop  }
0x3c: {  	p2 =	seq.s32 s10, $0x1;
	s10 =	sld [smem:$0x3FAB]  }
0x3d: {  	_ =	shalt  }
0x3e: {  	_ =	shalt  }
0x3f: {  	_ =	shalt  }
0x40: {  	_ =	shalt  }
0x41: {  	_ =	shalt  }
0x42: {  	_ =	shalt  }
0x43: {  	_ =	shalt  }
0x44: {  	_ =	shalt  }
0x45: {  	_ =	shalt  }
0x46: {  	_ =	shalt  }
0x47: {  	_ =	shalt  }
0x48: {  	_ =	shalt  }
0x49: {  	_ =	shalt  }
0x4a: {  	_ =	shalt  }
0x4b: {  	_ =	shalt  }
0x4c: {  	_ =	shalt  }
0x4d: {  	_ =	shalt  }
0x4e: {  	_ =	shalt  }
0x4f: {  	_ =	shalt  }
0x50: {  	_ =	shalt  }
0x51: {  	_ =	shalt  }
0x52: {  	_ =	shalt  }
0x53: {  	_ =	shalt  }
0x54: {  	_ =	shalt  }
0x55: {  	_ =	shalt  }
0x56: {  	_ =	shalt  }
0x57: {  	_ =	shalt  }
0x58: {  	_ =	shalt  }
0x59: {  	_ =	shalt  }
0x5a: {  	_ =	shalt  }
0x5b: {  	_ =	shalt  }
0x5c: {  	_ =	shalt  }
0x5d: {  	_ =	shalt  }
0x5e: {  	_ =	shalt  }
0x5f: {  	_ =	shalt  }
0x60: {  	_ =	shalt  }
0x61: {  	_ =	shalt  }
0x62: {  	_ =	shalt  }
0x63: {  	_ =	shalt  }
0x64: {  	_ =	shalt  }
0x65: {  	_ =	shalt  }
0x66: {  	_ =	shalt  }
0x67: {  	_ =	shalt  }
0x68: {  	_ =	shalt  }
0x69: {  	_ =	shalt  }
0x6a: {  	_ =	shalt  }
0x6b: {  	_ =	shalt  }
0x6c: {  	_ =	shalt  }
0x6d: {  	_ =	shalt  }
0x6e: {  	_ =	shalt  }
0x6f: {  	_ =	shalt  }
0x70: {  	_ =	shalt  }
0x71: {  	_ =	shalt  }
0x72: {  	_ =	shalt  }
0x73: {  	_ =	shalt  }
0x74: {  	_ =	shalt  }
0x75: {  	_ =	shalt  }
0x76: {  	_ =	shalt  }
0x77: {  	_ =	shalt  }
0x78: {  	_ =	shalt  }
0x79: {  	_ =	shalt  }
0x7a: {  	_ =	shalt  }
0x7b: {  	_ =	shalt  }
0x7c: {  	_ =	shalt  }
0x7d: {  	_ =	shalt  }
0x7e: {  	_ =	shalt  }
0x7f: {  	_ =	shalt  }
0x80: {  	_ =	shalt  }
0x81: {  	_ =	shalt  }
0x82: {  	_ =	shalt  }
0x83: {  	_ =	shalt  }
0x84: {  	_ =	shalt  }
0x85: {  	_ =	shalt  }
0x86: {  	_ =	shalt  }
0x87: {  	_ =	shalt  }
.Lfunc_end0:
.L_simem_size_0:
called_computation.1_lowered:
.L_overlay_start_0:
0x88: {  	s2 =	sld [smem:$0x3FD9]  }
0x89: {  	s3 =	sld [smem:$0x3FFE];
	_ =	sdelay $0x1  }
0x8a: {  	s1 =	srdreg.scid  }
0x8b: {  	s0 =	sand.u32 $0x1, s1  }
0x8c: {  	s16 =	sshll.u32 s0, $0xA;
	s2 =	sadd.s32 s3, s2  }
0x8d: {  	s2 =	sadd.s32 s2, s16  }
0x8e: {  	[smem:$0x3FB7] =	sst s2  }
0x8f: {  	_ = 	snop  }
0x90: {  	(tm) =	ssettm $0x1  }
0x91: {  	s17 =	sld [smem:$0x3FFB];
	_ =	sdelay $0x3  }
0x92: {  	_ =	strace s17  }
0x93: {  	s2 =	sld [smem:$0x3FFC];
	_ =	sdelay $0x3  }
0x94: {  	_ =	strace s2  }
0x95: {  	s2 =	sld [smem:$0x3FFD];
	_ =	sdelay $0x3  }
0x96: {  	_ =	strace s2  }
0x97: {  	_ =	strace $0x8FFFFFFF  }
0x98: {  	s18 =	sld [smem:$0x3FDB];
	_ =	sdelay $0x1  }
0x99: {  	s19 =	simm.s32 $_scs_section_size  }
0x9a: {  	s4 =	simm.s32 $_size__tile_overlayer_lowered;
	s5 =	simm.s32 $_tile_overlayer_lowered  }
0x9b: {  	s22 =	simm.s32 $0x1BFF;
	s21 =	sshll.u32 s5, $0x1;
	s2 =	sadd.s32 s19, s18  }
0x9c: {  	s6 =	simm.s32 $0x0;
	s20 =	sshll.u32 s4, $0x1;
	s4 =	sadd.s32 s21, s2  }
0x9d: {  	[timem:s6], [sflag:s22] =	dma.local [hbm:s4], s20  }
0x9e: {  	_ =	swait.ge [sflag:s22], s20  }
0x9f: {  	s3 =	ssub.s32 $0x0, s20;
	[sflag:s22] =	ssyncset.done $0x0  }
0xa0: {  	[sflag:s22] =	ssyncadd.s32 s3;
	_ =	sdelay $0x1  }
0xa1: {  	s23 =	simm.s32 $0x1B8B  }
0xa2: {  	_ =	swait.ge [sflag:s23], $0x1  }
0xa3: {  	[sflag:s23] =	ssyncset.done $0x0  }
0xa4: {  	s25 =	simm.s32 $0x1B8E;
	s24 =	sld [smem:$0x3FFE];
	[sflag:s23] =	ssyncadd.s32 $0xFFFFFFFF  }
0xa5: {  	s26 =	simm.s32 $execute0_lowered;
	[smem:$0x3FD2] =	sst s25  }
0xa6: {  	s4 =	sshll.u32 s26, $0x1;
	_ =	strace $0x80000049;
	[dreg:$0x1] =	wrdreg $0xFFFFFFFF  }
0xa7: {  	s28 =	simm.s32 $_size_execute0_lowered;
	s2 =	sadd.s32 s2, s4;
	[dreg:$0x0] =	wrdreg $0x0  }
0xa8: {  	s4 =	sshll.u32 s28, $0x1;
	[dreg:$0x2] =	wrdreg s2  }
0xa9: {  	[dreg:$0x3] =	wrdreg s4  }
0xaa: {  	[dreg:$0x4] =	wrdreg $0xC0  }
0xab: {  	_ =	task [dreg:s6], $0x5FFFF  }
0xac: {  	[dreg:$0x1] =	wrdreg $0xFFFFFFFF  }
0xad: {  	[dreg:$0x0] =	wrdreg $0x60  }
0xae: {  	[dreg:$0x2] =	wrdreg s24  }
0xaf: {  	[dreg:$0x3] =	wrdreg $0x70000  }
0xb0: {  	[dreg:$0x4] =	wrdreg $0x9  }
0xb1: {  	_ =	task.clear_ibuf [dreg:s6], $0x5FFFF;
	_ =	strace $0x90000049  }
0xb2: {  	s29 =	simm.s32 $0x9;
	_ =	strace $0x8000004B  }
0xb3: {  	_ =	swait.ge [sflag:s29], $0x1  }
0xb4: {  	[sflag:s29] =	ssyncadd.s32 $0xFFFFFFFF  }
0xb5: {  	_ =	strace $0x9000004B  }
0xb6: {  	_ =	sfence  }
0xb7: {  	s30 =	sld [smem:$0x0];
	_ =	sdelay $0x2  }
0xb8: {  	s31 =	sshll.u32 s1, $0xD;
	s1 =	sshrl.u32 s1, $0x2  }
0xb9: {  	s3 =	sand.u32 $0x4000, s31;
	s1 =	sadd.s32 s1, s30  }
0xba: {  	s0 =	sor.u32 s3, s0;
	s1 =	sshll.u32 s1, $0x11  }
0xbb: {  	s0 =	sor.u32 s1, s0  }
0xbc: {  	s0 =	sadd.s32 $0x8F2B, s0  }
0xbd: {  	[sflag:s0] =	ssyncadd.remote.s32 $0x1  }
0xbe: {  	_ =	sfence.sel $0xFFFF  }
0xbf: {  	[dreg:$0x0] =	wrdreg $0xFFFFFFFF;
	(pc) =	sbr.abs _section_cstart, $3  }
0xc0: {  	[dreg:$0x1] =	wrdreg $0xFFFFFFFF  }
0xc1: {  	_ =	task.clear_ibuf [dreg:s6], $0x2FFFF;
	_ =	strace $0x9FFFFFFF  }
0xc2: {  	(tm) =	ssettm $0x7FFFFFFF  }
0xc3: {  	_ =	shalt  }
tec
execute0_lowered:
.L_overlay_start_1:
0x0: {  	(tag) =	ssettag $0x1  }
0x1: {  	s0 =	srdreg.scid;
	s6 =	rddreg [dreg:$0x0]  }
0x2: {  	s2 =	rddreg [dreg:$0x1];
	s3 =	simm.s32 $0x0;
	s14 =	simm.s32 $0x80  }
0x3: {  	s15 =	simm.s32 $0x5000;
	s16 =	simm.s32 $0x6000;
	s17 =	simm.s32 $0x1  }
0x4: {  	s18 =	simm.s32 $0x2;
	s5 =	sand.u32 $0x1, s0;
	s0 =	stileid.u32  }
0x5: {  	s19 =	simm.s32 $0x0;
	[smem:$0x7FF] =	sst s3;
	s8 =	smul.u32 $0x4F00, s0  }
0x6: {  	s4 =	sadd.s32 $0x2800, s6;
	s1 =	sshll.u32 s5, $0x4;
	s9 =	smul.u32 $0x4F000, s5  }
0x7: {  	s5 =	ssub.s32 $0x2, s5;
	s31 =	sshll.u32 s0, $0x6;
	s1 =	sor.u32 s0, s1  }
0x8: {  	s30 =	sshrl.u32 s5, $0x1;
	s7 =	smul.u32 $0x500, s1;
	s1 =	rddreg [dreg:$0x2]  }
0x9: {  	_ =	strace $0x8000004A;
	s28 =	sadd.s32 s8, s9;
	s29 =	sshrl.u32 s8, $0x3  }
0xa: {  	s12 =	ssub.s32 s5, s30;
	s13 =	sadd.s32 s8, s2;
	s9 =	sadd.s32 s29, s6  }
0xb: {  	s10 =	sadd.s32 s7, s6;
	s7 =	sshrl.u32 s28, $0x3;
	s5 =	sadd.s32 $0x20600, s9  }
0xc: {  	s11 =	sadd.s32 s7, s6;
	s6 =	sor.u32 $0x1C03, s31;
	s7 =	sadd.s32 $0x16600, s10  }
0xd: {  	s8 =	sadd.s32 $0xC600, s10;
	s10 =	smax.u32 s12, $0x1;
	s12 =	simm.s32 $0x3  }
0xe: {  	s9 =	sadd.s32 $0x2A400, s11;
	s11 =	sshrl.u32 s13, $0x3;
	s13 =	simm.s32 $0x2800  }
.LBB2_1:
0xf: {  	[spmem:s11], [sflag:s6] =	dma.local [hbm:s5], $0x9E0  }
0x10: {  	_ =	swait.ge [sflag:s12], $0x9E0  }
0x11: {  	[sflag:s12] =	ssyncset.done $0x0  }
0x12: {  	[sflag:s12] =	ssyncadd.s32 $0xFFFFF620  }
0x13: {  	[tilespmem:s3], [sflag:$0x3] =	stream.linear.gather [hbm4b:s7+s3], $0x2800, $0x38;
	[tilespmem:$0xBF00] =	vst v63  }
0x14: {  	_ =	swait.ge [sflag:s12], $0x2800  }
0x15: {  	[sflag:s12] =	ssyncset.done $0x0  }
0x16: {  	[sflag:s12] =	ssyncadd.s32 $0xFFFFD800  }
0x17: {  	[tilespmem:s13], [sflag:$0x3] =	stream.linear.gather [hbm4b:s8+s3], $0x2800, $0x38;
	[tilespmem:$0xBF00] =	vst v63  }
0x18: {  	_ =	swait.ge [sflag:s12], $0x2800  }
0x19: {  	[sflag:s12] =	ssyncset.done $0x0  }
0x1a: {  	[sflag:s12] =	ssyncadd.s32 $0xFFFFD800  }
0x1b: {  	s20 =	simm.s32 $0x0;
	[bflag:$0x0] =	sbarrier.arrive $0xFFFF  }
0x1c: {  	[tilespmem:s15], [sflag:$0x1] =	stream.indirect.gather [hbm4b:s4+s14], $0x20, s20, s14, $0xb8;
	[tilespmem:$0xBF00] =	vst v63  }
0x1d: {  	s29 =	simm.s32 $0x80  }
0x1e: {  	[tilespmem:s16], [sflag:$0x2] =	stream.indirect.gather [hbm4b:s4+s14], $0x20, s29, s14, $0xb8;
	[tilespmem:$0xBF00] =	vst v63  }
0x1f: {  	_ =	swait.ge [sflag:s17], $0x1000  }
0x20: {  	[sflag:s17] =	ssyncset.done $0x0  }
0x21: {  	s30 =	simm.s32 $0x2800;
	[sflag:s17] =	ssyncadd.s32 $0xFFFFF000  }
0x22: {  	[spmem:s2] =	stream.indirect.scatter.add.f32 [tilespmem:s15], [sflag:$0x3], $0x20, s30, s14, $0xb8;
	[tilespmem:$0xBF00] =	vst v63  }
0x23: {  	_ =	swait.ge [sflag:s12], $0x1000  }
0x24: {  	[sflag:s12] =	ssyncset.done $0x0  }
0x25: {  	[sflag:s12] =	ssyncadd.s32 $0xFFFFF000  }
0x26: {  	_ =	swait.ge [sflag:s18], $0x1000  }
0x27: {  	[sflag:s18] =	ssyncset.done $0x0  }
0x28: {  	s31 =	simm.s32 $0x2880;
	[sflag:s18] =	ssyncadd.s32 $0xFFFFF000  }
0x29: {  	[spmem:s2] =	stream.indirect.scatter.add.f32 [tilespmem:s16], [sflag:$0x3], $0x20, s31, s14, $0xb8;
	[tilespmem:$0xBF00] =	vst v63  }
0x2a: {  	_ =	swait.ge [sflag:s12], $0x1000  }
0x2b: {  	s21 =	simm.s32 $0x800;
	s20 =	simm.s32 $0x400;
	[sflag:s12] =	ssyncset.done $0x0  }
.LBB2_2:
0x2c: {  	s22 =	sshra.s32 s20, $0x2  }
0x2d: {  	[sflag:s12] =	ssyncadd.s32 $0xFFFFF000;
	s20 =	smov.u32 s21;
	s23 =	sadd.s32 $0x400, s21  }
0x2e: {  	[tilespmem:s15], [sflag:$0x1] =	stream.indirect.gather [hbm4b:s4+s14], $0x20, s22, s14, $0xb8;
	[tilespmem:$0xBF00] =	vst v63  }
0x2f: {  	p0 =	sne.s32 s21, $0x9C00;
	s21 =	sadd.s32 $0x80, s22  }
0x30: {  	[tilespmem:s16], [sflag:$0x2] =	stream.indirect.gather [hbm4b:s4+s14], $0x20, s21, s14, $0xb8;
	[tilespmem:$0xBF00] =	vst v63  }
0x31: {  	_ =	swait.ge [sflag:s17], $0x1000  }
0x32: {  	[sflag:s17] =	ssyncset.done $0x0  }
0x33: {  	s21 =	sadd.s32 $0x2800, s22;
	[sflag:s17] =	ssyncadd.s32 $0xFFFFF000  }
0x34: {  	[spmem:s2] =	stream.indirect.scatter.add.f32 [tilespmem:s15], [sflag:$0x3], $0x20, s21, s14, $0xb8;
	[tilespmem:$0xBF00] =	vst v63  }
0x35: {  	_ =	swait.ge [sflag:s12], $0x1000  }
0x36: {  	[sflag:s12] =	ssyncset.done $0x0  }
0x37: {  	[sflag:s12] =	ssyncadd.s32 $0xFFFFF000  }
0x38: {  	_ =	swait.ge [sflag:s18], $0x1000  }
.Ltmp0:
0x39: {  	[sflag:s18] =	ssyncset.done $0x0;
	(pc) =	sbr.rel @p0 .LBB2_2-.Ltmp0, $4  }
0x3a: {  	s21 =	sadd.s32 $0x2880, s22;
	[sflag:s18] =	ssyncadd.s32 $0xFFFFF000  }
0x3b: {  	[spmem:s2] =	stream.indirect.scatter.add.f32 [tilespmem:s16], [sflag:$0x3], $0x20, s21, s14, $0xb8;
	[tilespmem:$0xBF00] =	vst v63  }
0x3c: {  	_ =	swait.ge [sflag:s12], $0x1000  }
0x3d: {  	s21 =	smov.u32 s23;
	[sflag:s12] =	ssyncset.done $0x0  }
0x3e: {  	s20 =	sshra.s32 s20, $0x2;
	[sflag:s12] =	ssyncadd.s32 $0xFFFFF000  }
0x3f: {  	[tilespmem:s15], [sflag:$0x1] =	stream.indirect.gather [hbm4b:s4+s14], $0x20, s20, s14, $0xb8;
	[tilespmem:$0xBF00] =	vst v63  }
0x40: {  	s21 =	sadd.s32 $0x80, s20  }
0x41: {  	[tilespmem:s16], [sflag:$0x2] =	stream.indirect.gather [hbm4b:s4+s14], $0x20, s21, s14, $0xb8;
	[tilespmem:$0xBF00] =	vst v63  }
0x42: {  	_ =	swait.ge [sflag:s17], $0x1000  }
0x43: {  	[sflag:s17] =	ssyncset.done $0x0  }
0x44: {  	s31 =	sadd.s32 $0x2800, s20;
	[sflag:s17] =	ssyncadd.s32 $0xFFFFF000  }
0x45: {  	[spmem:s2] =	stream.indirect.scatter.add.f32 [tilespmem:s15], [sflag:$0x3], $0x20, s31, s14, $0xb8;
	[tilespmem:$0xBF00] =	vst v63  }
0x46: {  	_ =	swait.ge [sflag:s12], $0x1000  }
0x47: {  	[sflag:s12] =	ssyncset.done $0x0  }
0x48: {  	[sflag:s12] =	ssyncadd.s32 $0xFFFFF000  }
0x49: {  	_ =	swait.ge [sflag:s18], $0x1000  }
0x4a: {  	[sflag:s18] =	ssyncset.done $0x0  }
0x4b: {  	s20 =	sadd.s32 $0x2880, s20;
	[sflag:s18] =	ssyncadd.s32 $0xFFFFF000  }
0x4c: {  	[spmem:s2] =	stream.indirect.scatter.add.f32 [tilespmem:s16], [sflag:$0x3], $0x20, s20, s14, $0xb8;
	[tilespmem:$0xBF00] =	vst v63  }
0x4d: {  	_ =	swait.ge [sflag:s12], $0x1000  }
0x4e: {  	s19 =	sadd.s32 $0x1, s19;
	[sflag:s12] =	ssyncset.done $0x0  }
0x4f: {  	p0 =	sne.s32 s19, s10;
	[sflag:s12] =	ssyncadd.s32 $0xFFFFF000  }
.Ltmp1:
0x50: {  	[bflag:$0x0] =	sbarrier.arrive $0xFFFF;
	(pc) =	sbr.rel @p0 .LBB2_1-.Ltmp1, $4  }
0x51: {  	[hbm:s9], [sflag:s6] =	dma.local [spmem:s11], $0x9E0  }
0x52: {  	_ =	swait.ge [sflag:s12], $0x9E0  }
0x53: {  	[sflag:s12] =	ssyncset.done $0x0  }
0x54: {  	[sflag:s12] =	ssyncadd.s32 $0xFFFFF620  }
0x55: {  	_ =	sfence.sel $0x180000  }
0x56: {  	[bflag:$0x0] =	sbarrier.arrive $0xFFFF  }
0x57: {  	p0 =	sne.s32 s0, $0x0;
	_ =	strace $0x9000004A  }
0x58: {  	s0 =	sadd.s32 @!p0 $0x100000, s1;
	[bflag:$0x2] =	sbarrier.arrive $0xFFFF  }
0x59: {  	[sflag:s0] =	ssyncadd.tile.s32 @!p0 $0x1;
	_ =	shalt  }
.Lfunc_end2:
_tile_overlayer_lowered:
.L_overlay_start_2:
0x5a: {  	(tag) =	ssettag $0x2  }
0x5b: {  	s0 =	rddreg [dreg:$0x0];
	s2 =	stileid.u32  }
0x5c: {  	s1 =	rddreg [dreg:$0x1];
	p0 =	sne.s32 s2, $0x0  }
0x5d: {  	s3 =	rddreg [dreg:$0x2];
	[bflag:$0x3] =	sbarrier.arrive $0xFFFF;
	s2 =	simm.s32 @!p0 $0x1C03  }
0x5e: {  	[timem:s3], [sflag:s2] =	dma.local @!p0 [hbm:s0], s1  }
0x5f: {  	s0 =	simm.s32 @!p0 $0x3  }
0x60: {  	_ =	swait.ge @!p0 [sflag:s0], s1  }
0x61: {  	s1 =	ssub.s32 @!p0 $0x0, s1;
	[sflag:s0] =	ssyncset.done @!p0 $0x0  }
0x62: {  	[sflag:s0] =	ssyncadd.s32 @!p0 s1  }
0x63: {  	[bflag:$0x3] =	sbarrier.arrive $0xFFFF  }
0x64: {  	_ =	shalt  }

// kernel: kernel.15.cloned.1.call-start
scs
__scs_entry_jumppad:
0x0: {  	(pc) =	sbr.rel $0x88, $3  }
0x1: {  	(tag) =	ssettag $0x0;
	lr =	simm.s32 $0x1  }
0x2: {  	[smem:$0x3F90] =	sst lr;
	_ =	strace $0xD0000000  }
0x3: {  	_ = 	snop  }
0x4: {  	_ = 	snop  }
0x5: {  	_ = 	snop  }
0x6: {  	_ = 	snop  }
0x7: {  	_ = 	snop  }
__scs_overlays_trampoline_lowered:
0x8: {  	[smem:$0x3F9F] =	sst s0  }
0x9: {  	[smem:$0x3FA0] =	sst s1  }
0xa: {  	[smem:$0x3FA1] =	sst s2  }
0xb: {  	[smem:$0x3FA2] =	sst s3  }
0xc: {  	[smem:$0x3FA3] =	sst s4  }
0xd: {  	[smem:$0x3FA4] =	sst s5  }
0xe: {  	[smem:$0x3FA5] =	sst s6  }
0xf: {  	[smem:$0x3FA6] =	sst s7  }
0x10: {  	[smem:$0x3FA7] =	sst s8  }
0x11: {  	[smem:$0x3FA8] =	sst s9;
	s0 =	simm.s32 @!p0 $0x0  }
0x12: {  	s1 =	sld [smem:$0x3F8E];
	s0 =	simm.s32 @p0 $0x1  }
0x13: {  	[smem:$0x3FA9] =	sst s0;
	s0 =	simm.s32 @!p1 $0x0  }
0x14: {  	s2 =	sld [smem:$0x3F8D];
	s0 =	simm.s32 @p1 $0x1  }
0x15: {  	[smem:$0x3FAA] =	sst s0;
	s0 =	simm.s32 @!p2 $0x0  }
0x16: {  	s3 =	sld [smem:$0x3FDB];
	s0 =	simm.s32 @p2 $0x1  }
0x17: {  	s4 =	simm.s32 $0x1BF5;
	[smem:$0x3FAC] =	sst s0  }
0x18: {  	s0 =	sld [smem:$0x3F8F];
	_ =	swait.ge [sflag:s4], $0x0  }
0x19: {  	s7 =	sld [smem:$0x3F90]  }
0x1a: {  	s8 =	sadd.s32 $0xFFFFE003, lr  }
0x1b: {  	s9 =	sadd.s32 $0xFFFFFEF7, lr;
	s5 =	simm.s32 $0xFFFFFFFF;
	p2 =	slt.u32 s8, $0xFFFFF086  }
0x1c: {  	p1 =	slt.u32 s9, $0xF7A;
	s5 =	simm.s32 @!p2 $0x0  }
0x1d: {  	s5 =	simm.s32 @p1 $0x1;
	p0 =	seq.s32 s7, s2  }
0x1e: {  	s7 =	smul.u32 @!p0 $0xF7A, s2;
	p2 =	seq.s32 @!p0 s5, $0x0  }
0x1f: {  	s9 =	smul.u32 $0xF7A, s1;
	s8 =	simm.s32 @!p0 $0x1BF5;
	p2 =	por !p2, p0  }
0x20: {  	[sflag:s8] =	ssyncset.s32 @!p0 $0xFFFFF086;
	s6 =	sadd.s32 @!p0 s3, s7;
	s7 =	simm.s32 @!p0 $0x108  }
0x21: {  	s3 =	sadd.s32 s3, s9;
	s6 =	sadd.s32 @!p0 $0x88, s6;
	s7 =	simm.s32 @p2 $0x1082  }
0x22: {  	[simem:s7], [sflag:s8] =	dma.local @!p0 [hbm:s6], $0xF7A  }
0x23: {  	s9 =	sor.u32 $0xD0000000, s2;
	s6 =	simm.s32 $0x108;
	_ =	swait.ge @!p0 [sflag:s8], $0x0  }
0x24: {  	s3 =	sadd.s32 $0x88, s3;
	s6 =	simm.s32 @!p1 $0x1082;
	[sflag:s4] =	ssyncset.s32 $0xFFFFF086  }
0x25: {  	[simem:s6], [sflag:s4] =	dma.local [hbm:s3], $0xF7A  }
0x26: {  	[smem:$0x3F90] =	sst s1;
	(tag) =	ssettag s2;
	_ =	strace s9  }
0x27: {  	s1 =	sld [smem:$0x3FA0]  }
0x28: {  	s2 =	sld [smem:$0x3FA1]  }
0x29: {  	s4 =	sld [smem:$0x3FA3]  }
0x2a: {  	p0 =	seq.s32 s5, $0x0;
	s5 =	sld [smem:$0x3FA4]  }
0x2b: {  	s6 =	sld [smem:$0x3FA5]  }
0x2c: {  	s7 =	sld [smem:$0x3FA6]  }
0x2d: {  	s3 =	simm.s32 $0x108;
	s8 =	sld [smem:$0x3FA7]  }
0x2e: {  	s3 =	simm.s32 @!p0 $0x1082;
	s9 =	sld [smem:$0x3FA8]  }
0x2f: {  	lr =	sadd.s32 s0, s3;
	s0 =	sld [smem:$0x3F9F]  }
0x30: {  	s3 =	sld [smem:$0x3FA2]  }
0x31: {  	[smem:$0x3FAB] =	sst s10  }
0x32: {  	s10 =	sld [smem:$0x3FA9];
	_ =	sdelay $0x3  }
0x33: {  	p0 =	seq.s32 s10, $0x1;
	s10 =	sld [smem:$0x3FAB];
	_ =	sdelay $0x3  }
0x34: {  	[smem:$0x3FAB] =	sst s10  }
0x35: {  	s10 =	sld [smem:$0x3FAA];
	_ =	sdelay $0x3  }
0x36: {  	p1 =	seq.s32 s10, $0x1;
	s10 =	sld [smem:$0x3FAB];
	_ =	sdelay $0x3  }
0x37: {  	[smem:$0x3FAB] =	sst s10  }
0x38: {  	s10 =	sld [smem:$0x3FAC]  }
0x39: {  	_ = 	snop;
	(pc) =	sbr.ind lr, $3  }
0x3a: {  	_ = 	snop  }
0x3b: {  	_ = 	snop  }
0x3c: {  	p2 =	seq.s32 s10, $0x1;
	s10 =	sld [smem:$0x3FAB]  }
0x3d: {  	_ =	shalt  }
0x3e: {  	_ =	shalt  }
0x3f: {  	_ =	shalt  }
0x40: {  	_ =	shalt  }
0x41: {  	_ =	shalt  }
0x42: {  	_ =	shalt  }
0x43: {  	_ =	shalt  }
0x44: {  	_ =	shalt  }
0x45: {  	_ =	shalt  }
0x46: {  	_ =	shalt  }
0x47: {  	_ =	shalt  }
0x48: {  	_ =	shalt  }
0x49: {  	_ =	shalt  }
0x4a: {  	_ =	shalt  }
0x4b: {  	_ =	shalt  }
0x4c: {  	_ =	shalt  }
0x4d: {  	_ =	shalt  }
0x4e: {  	_ =	shalt  }
0x4f: {  	_ =	shalt  }
0x50: {  	_ =	shalt  }
0x51: {  	_ =	shalt  }
0x52: {  	_ =	shalt  }
0x53: {  	_ =	shalt  }
0x54: {  	_ =	shalt  }
0x55: {  	_ =	shalt  }
0x56: {  	_ =	shalt  }
0x57: {  	_ =	shalt  }
0x58: {  	_ =	shalt  }
0x59: {  	_ =	shalt  }
0x5a: {  	_ =	shalt  }
0x5b: {  	_ =	shalt  }
0x5c: {  	_ =	shalt  }
0x5d: {  	_ =	shalt  }
0x5e: {  	_ =	shalt  }
0x5f: {  	_ =	shalt  }
0x60: {  	_ =	shalt  }
0x61: {  	_ =	shalt  }
0x62: {  	_ =	shalt  }
0x63: {  	_ =	shalt  }
0x64: {  	_ =	shalt  }
0x65: {  	_ =	shalt  }
0x66: {  	_ =	shalt  }
0x67: {  	_ =	shalt  }
0x68: {  	_ =	shalt  }
0x69: {  	_ =	shalt  }
0x6a: {  	_ =	shalt  }
0x6b: {  	_ =	shalt  }
0x6c: {  	_ =	shalt  }
0x6d: {  	_ =	shalt  }
0x6e: {  	_ =	shalt  }
0x6f: {  	_ =	shalt  }
0x70: {  	_ =	shalt  }
0x71: {  	_ =	shalt  }
0x72: {  	_ =	shalt  }
0x73: {  	_ =	shalt  }
0x74: {  	_ =	shalt  }
0x75: {  	_ =	shalt  }
0x76: {  	_ =	shalt  }
0x77: {  	_ =	shalt  }
0x78: {  	_ =	shalt  }
0x79: {  	_ =	shalt  }
0x7a: {  	_ =	shalt  }
0x7b: {  	_ =	shalt  }
0x7c: {  	_ =	shalt  }
0x7d: {  	_ =	shalt  }
0x7e: {  	_ =	shalt  }
0x7f: {  	_ =	shalt  }
0x80: {  	_ =	shalt  }
0x81: {  	_ =	shalt  }
0x82: {  	_ =	shalt  }
0x83: {  	_ =	shalt  }
0x84: {  	_ =	shalt  }
0x85: {  	_ =	shalt  }
0x86: {  	_ =	shalt  }
0x87: {  	_ =	shalt  }
.Lfunc_end0:
.L_simem_size_0:
called_computation.2_lowered:
.L_overlay_start_0:
0x88: {  	s2 =	sld [smem:$0x3FD9]  }
0x89: {  	s3 =	sld [smem:$0x3FFE];
	_ =	sdelay $0x1  }
0x8a: {  	s1 =	srdreg.scid  }
0x8b: {  	s0 =	sand.u32 $0x1, s1  }
0x8c: {  	s16 =	sshll.u32 s0, $0xA;
	s2 =	sadd.s32 s3, s2  }
0x8d: {  	s2 =	sadd.s32 s2, s16  }
0x8e: {  	[smem:$0x3FB7] =	sst s2  }
0x8f: {  	_ = 	snop  }
0x90: {  	(tm) =	ssettm $0x1  }
0x91: {  	s17 =	sld [smem:$0x3FFB];
	_ =	sdelay $0x3  }
0x92: {  	_ =	strace s17  }
0x93: {  	s2 =	sld [smem:$0x3FFC];
	_ =	sdelay $0x3  }
0x94: {  	_ =	strace s2  }
0x95: {  	s2 =	sld [smem:$0x3FFD];
	_ =	sdelay $0x3  }
0x96: {  	_ =	strace s2  }
0x97: {  	_ =	strace $0x8FFFFFFF  }
0x98: {  	s18 =	sld [smem:$0x3FDB];
	_ =	sdelay $0x1  }
0x99: {  	s19 =	simm.s32 $_scs_section_size  }
0x9a: {  	s4 =	simm.s32 $_size__tile_overlayer_lowered;
	s5 =	simm.s32 $_tile_overlayer_lowered  }
0x9b: {  	s22 =	simm.s32 $0x1BFF;
	s21 =	sshll.u32 s5, $0x1;
	s2 =	sadd.s32 s19, s18  }
0x9c: {  	s6 =	simm.s32 $0x0;
	s20 =	sshll.u32 s4, $0x1;
	s4 =	sadd.s32 s21, s2  }
0x9d: {  	[timem:s6], [sflag:s22] =	dma.local [hbm:s4], s20  }
0x9e: {  	_ =	swait.ge [sflag:s22], s20  }
0x9f: {  	s3 =	ssub.s32 $0x0, s20;
	[sflag:s22] =	ssyncset.done $0x0  }
0xa0: {  	[sflag:s22] =	ssyncadd.s32 s3;
	_ =	sdelay $0x1  }
0xa1: {  	s23 =	simm.s32 $0x1B8B  }
0xa2: {  	_ =	swait.ge [sflag:s23], $0x1  }
0xa3: {  	[sflag:s23] =	ssyncset.done $0x0  }
0xa4: {  	s25 =	simm.s32 $0x1B8E;
	s24 =	sld [smem:$0x3FFE];
	[sflag:s23] =	ssyncadd.s32 $0xFFFFFFFF  }
0xa5: {  	s26 =	simm.s32 $execute0_lowered;
	[smem:$0x3FD2] =	sst s25  }
0xa6: {  	s4 =	sshll.u32 s26, $0x1;
	_ =	strace $0x8000004C;
	[dreg:$0x1] =	wrdreg $0xFFFFFFFF  }
0xa7: {  	s28 =	simm.s32 $_size_execute0_lowered;
	s2 =	sadd.s32 s2, s4;
	[dreg:$0x0] =	wrdreg $0x0  }
0xa8: {  	s4 =	sshll.u32 s28, $0x1;
	[dreg:$0x2] =	wrdreg s2  }
0xa9: {  	[dreg:$0x3] =	wrdreg s4  }
0xaa: {  	[dreg:$0x4] =	wrdreg $0xC0  }
0xab: {  	_ =	task [dreg:s6], $0x5FFFF  }
0xac: {  	[dreg:$0x1] =	wrdreg $0xFFFFFFFF  }
0xad: {  	[dreg:$0x0] =	wrdreg $0x60  }
0xae: {  	[dreg:$0x2] =	wrdreg s24  }
0xaf: {  	[dreg:$0x3] =	wrdreg $0x70000  }
0xb0: {  	[dreg:$0x4] =	wrdreg $0x9  }
0xb1: {  	_ =	task.clear_ibuf [dreg:s6], $0x5FFFF;
	_ =	strace $0x9000004C  }
0xb2: {  	s29 =	simm.s32 $0x9;
	_ =	strace $0x8000004E  }
0xb3: {  	_ =	swait.ge [sflag:s29], $0x1  }
0xb4: {  	[sflag:s29] =	ssyncadd.s32 $0xFFFFFFFF  }
0xb5: {  	_ =	strace $0x9000004E  }
0xb6: {  	_ =	sfence  }
0xb7: {  	s30 =	sld [smem:$0x0];
	_ =	sdelay $0x2  }
0xb8: {  	s31 =	sshll.u32 s1, $0xD;
	s1 =	sshrl.u32 s1, $0x2  }
0xb9: {  	s3 =	sand.u32 $0x4000, s31;
	s1 =	sadd.s32 s1, s30  }
0xba: {  	s0 =	sor.u32 s3, s0;
	s1 =	sshll.u32 s1, $0x11  }
0xbb: {  	s0 =	sor.u32 s1, s0  }
0xbc: {  	s0 =	sadd.s32 $0x8F2B, s0  }
0xbd: {  	[sflag:s0] =	ssyncadd.remote.s32 $0x1  }
0xbe: {  	_ =	sfence.sel $0xFFFF  }
0xbf: {  	[dreg:$0x0] =	wrdreg $0xFFFFFFFF;
	(pc) =	sbr.abs _section_cstart, $3  }
0xc0: {  	[dreg:$0x1] =	wrdreg $0xFFFFFFFF  }
0xc1: {  	_ =	task.clear_ibuf [dreg:s6], $0x2FFFF;
	_ =	strace $0x9FFFFFFF  }
0xc2: {  	(tm) =	ssettm $0x7FFFFFFF  }
0xc3: {  	_ =	shalt  }
tec
execute0_lowered:
.L_overlay_start_1:
0x0: {  	(tag) =	ssettag $0x1  }
0x1: {  	s0 =	srdreg.scid;
	s6 =	rddreg [dreg:$0x0]  }
0x2: {  	s2 =	rddreg [dreg:$0x1];
	s3 =	simm.s32 $0x0;
	s14 =	simm.s32 $0x80  }
0x3: {  	s15 =	simm.s32 $0x5000;
	s16 =	simm.s32 $0x6000;
	s17 =	simm.s32 $0x1  }
0x4: {  	s18 =	simm.s32 $0x2;
	s5 =	sand.u32 $0x1, s0;
	s0 =	stileid.u32  }
0x5: {  	s19 =	simm.s32 $0x0;
	[smem:$0x7FF] =	sst s3;
	s8 =	smul.u32 $0x4F00, s0  }
0x6: {  	s4 =	sadd.s32 $0x2800, s6;
	s1 =	sshll.u32 s5, $0x4;
	s9 =	smul.u32 $0x4F000, s5  }
0x7: {  	s5 =	ssub.s32 $0x2, s5;
	s31 =	sshll.u32 s0, $0x6;
	s1 =	sor.u32 s0, s1  }
0x8: {  	s30 =	sshrl.u32 s5, $0x1;
	s7 =	smul.u32 $0x500, s1;
	s1 =	rddreg [dreg:$0x2]  }
0x9: {  	_ =	strace $0x8000004D;
	s28 =	sadd.s32 s8, s9;
	s29 =	sshrl.u32 s8, $0x3  }
0xa: {  	s12 =	ssub.s32 s5, s30;
	s13 =	sadd.s32 s8, s2;
	s9 =	sadd.s32 s29, s6  }
0xb: {  	s10 =	sadd.s32 s7, s6;
	s7 =	sshrl.u32 s28, $0x3;
	s5 =	sadd.s32 $0x20600, s9  }
0xc: {  	s11 =	sadd.s32 s7, s6;
	s6 =	sor.u32 $0x1C03, s31;
	s7 =	sadd.s32 $0x16600, s10  }
0xd: {  	s8 =	sadd.s32 $0xC600, s10;
	s10 =	smax.u32 s12, $0x1;
	s12 =	simm.s32 $0x3  }
0xe: {  	s9 =	sadd.s32 $0x2A400, s11;
	s11 =	sshrl.u32 s13, $0x3;
	s13 =	simm.s32 $0x2800  }
.LBB2_1:
0xf: {  	[spmem:s11], [sflag:s6] =	dma.local [hbm:s5], $0x9E0  }
0x10: {  	_ =	swait.ge [sflag:s12], $0x9E0  }
0x11: {  	[sflag:s12] =	ssyncset.done $0x0  }
0x12: {  	[sflag:s12] =	ssyncadd.s32 $0xFFFFF620  }
0x13: {  	[tilespmem:s3], [sflag:$0x3] =	stream.linear.gather [hbm4b:s7+s3], $0x2800, $0x38;
	[tilespmem:$0xBF00] =	vst v63  }
0x14: {  	_ =	swait.ge [sflag:s12], $0x2800  }
0x15: {  	[sflag:s12] =	ssyncset.done $0x0  }
0x16: {  	[sflag:s12] =	ssyncadd.s32 $0xFFFFD800  }
0x17: {  	[tilespmem:s13], [sflag:$0x3] =	stream.linear.gather [hbm4b:s8+s3], $0x2800, $0x38;
	[tilespmem:$0xBF00] =	vst v63  }
0x18: {  	_ =	swait.ge [sflag:s12], $0x2800  }
0x19: {  	[sflag:s12] =	ssyncset.done $0x0  }
0x1a: {  	[sflag:s12] =	ssyncadd.s32 $0xFFFFD800  }
0x1b: {  	s20 =	simm.s32 $0x0;
	[bflag:$0x0] =	sbarrier.arrive $0xFFFF  }
0x1c: {  	[tilespmem:s15], [sflag:$0x1] =	stream.indirect.gather [hbm4b:s4+s14], $0x20, s20, s14, $0xb8;
	[tilespmem:$0xBF00] =	vst v63  }
0x1d: {  	s29 =	simm.s32 $0x80  }
0x1e: {  	[tilespmem:s16], [sflag:$0x2] =	stream.indirect.gather [hbm4b:s4+s14], $0x20, s29, s14, $0xb8;
	[tilespmem:$0xBF00] =	vst v63  }
0x1f: {  	_ =	swait.ge [sflag:s17], $0x1000  }
0x20: {  	[sflag:s17] =	ssyncset.done $0x0  }
0x21: {  	s30 =	simm.s32 $0x2800;
	[sflag:s17] =	ssyncadd.s32 $0xFFFFF000  }
0x22: {  	[spmem:s2] =	stream.indirect.scatter.add.f32 [tilespmem:s15], [sflag:$0x3], $0x20, s30, s14, $0xb8;
	[tilespmem:$0xBF00] =	vst v63  }
0x23: {  	_ =	swait.ge [sflag:s12], $0x1000  }
0x24: {  	[sflag:s12] =	ssyncset.done $0x0  }
0x25: {  	[sflag:s12] =	ssyncadd.s32 $0xFFFFF000  }
0x26: {  	_ =	swait.ge [sflag:s18], $0x1000  }
0x27: {  	[sflag:s18] =	ssyncset.done $0x0  }
0x28: {  	s31 =	simm.s32 $0x2880;
	[sflag:s18] =	ssyncadd.s32 $0xFFFFF000  }
0x29: {  	[spmem:s2] =	stream.indirect.scatter.add.f32 [tilespmem:s16], [sflag:$0x3], $0x20, s31, s14, $0xb8;
	[tilespmem:$0xBF00] =	vst v63  }
0x2a: {  	_ =	swait.ge [sflag:s12], $0x1000  }
0x2b: {  	s21 =	simm.s32 $0x800;
	s20 =	simm.s32 $0x400;
	[sflag:s12] =	ssyncset.done $0x0  }
.LBB2_2:
0x2c: {  	s22 =	sshra.s32 s20, $0x2  }
0x2d: {  	[sflag:s12] =	ssyncadd.s32 $0xFFFFF000;
	s20 =	smov.u32 s21;
	s23 =	sadd.s32 $0x400, s21  }
0x2e: {  	[tilespmem:s15], [sflag:$0x1] =	stream.indirect.gather [hbm4b:s4+s14], $0x20, s22, s14, $0xb8;
	[tilespmem:$0xBF00] =	vst v63  }
0x2f: {  	p0 =	sne.s32 s21, $0x9C00;
	s21 =	sadd.s32 $0x80, s22  }
0x30: {  	[tilespmem:s16], [sflag:$0x2] =	stream.indirect.gather [hbm4b:s4+s14], $0x20, s21, s14, $0xb8;
	[tilespmem:$0xBF00] =	vst v63  }
0x31: {  	_ =	swait.ge [sflag:s17], $0x1000  }
0x32: {  	[sflag:s17] =	ssyncset.done $0x0  }
0x33: {  	s21 =	sadd.s32 $0x2800, s22;
	[sflag:s17] =	ssyncadd.s32 $0xFFFFF000  }
0x34: {  	[spmem:s2] =	stream.indirect.scatter.add.f32 [tilespmem:s15], [sflag:$0x3], $0x20, s21, s14, $0xb8;
	[tilespmem:$0xBF00] =	vst v63  }
0x35: {  	_ =	swait.ge [sflag:s12], $0x1000  }
0x36: {  	[sflag:s12] =	ssyncset.done $0x0  }
0x37: {  	[sflag:s12] =	ssyncadd.s32 $0xFFFFF000  }
0x38: {  	_ =	swait.ge [sflag:s18], $0x1000  }
.Ltmp0:
0x39: {  	[sflag:s18] =	ssyncset.done $0x0;
	(pc) =	sbr.rel @p0 .LBB2_2-.Ltmp0, $4  }
0x3a: {  	s21 =	sadd.s32 $0x2880, s22;
	[sflag:s18] =	ssyncadd.s32 $0xFFFFF000  }
0x3b: {  	[spmem:s2] =	stream.indirect.scatter.add.f32 [tilespmem:s16], [sflag:$0x3], $0x20, s21, s14, $0xb8;
	[tilespmem:$0xBF00] =	vst v63  }
0x3c: {  	_ =	swait.ge [sflag:s12], $0x1000  }
0x3d: {  	s21 =	smov.u32 s23;
	[sflag:s12] =	ssyncset.done $0x0  }
0x3e: {  	s20 =	sshra.s32 s20, $0x2;
	[sflag:s12] =	ssyncadd.s32 $0xFFFFF000  }
0x3f: {  	[tilespmem:s15], [sflag:$0x1] =	stream.indirect.gather [hbm4b:s4+s14], $0x20, s20, s14, $0xb8;
	[tilespmem:$0xBF00] =	vst v63  }
0x40: {  	s21 =	sadd.s32 $0x80, s20  }
0x41: {  	[tilespmem:s16], [sflag:$0x2] =	stream.indirect.gather [hbm4b:s4+s14], $0x20, s21, s14, $0xb8;
	[tilespmem:$0xBF00] =	vst v63  }
0x42: {  	_ =	swait.ge [sflag:s17], $0x1000  }
0x43: {  	[sflag:s17] =	ssyncset.done $0x0  }
0x44: {  	s31 =	sadd.s32 $0x2800, s20;
	[sflag:s17] =	ssyncadd.s32 $0xFFFFF000  }
0x45: {  	[spmem:s2] =	stream.indirect.scatter.add.f32 [tilespmem:s15], [sflag:$0x3], $0x20, s31, s14, $0xb8;
	[tilespmem:$0xBF00] =	vst v63  }
0x46: {  	_ =	swait.ge [sflag:s12], $0x1000  }
0x47: {  	[sflag:s12] =	ssyncset.done $0x0  }
0x48: {  	[sflag:s12] =	ssyncadd.s32 $0xFFFFF000  }
0x49: {  	_ =	swait.ge [sflag:s18], $0x1000  }
0x4a: {  	[sflag:s18] =	ssyncset.done $0x0  }
0x4b: {  	s20 =	sadd.s32 $0x2880, s20;
	[sflag:s18] =	ssyncadd.s32 $0xFFFFF000  }
0x4c: {  	[spmem:s2] =	stream.indirect.scatter.add.f32 [tilespmem:s16], [sflag:$0x3], $0x20, s20, s14, $0xb8;
	[tilespmem:$0xBF00] =	vst v63  }
0x4d: {  	_ =	swait.ge [sflag:s12], $0x1000  }
0x4e: {  	s19 =	sadd.s32 $0x1, s19;
	[sflag:s12] =	ssyncset.done $0x0  }
0x4f: {  	p0 =	sne.s32 s19, s10;
	[sflag:s12] =	ssyncadd.s32 $0xFFFFF000  }
.Ltmp1:
0x50: {  	[bflag:$0x0] =	sbarrier.arrive $0xFFFF;
	(pc) =	sbr.rel @p0 .LBB2_1-.Ltmp1, $4  }
0x51: {  	[hbm:s9], [sflag:s6] =	dma.local [spmem:s11], $0x9E0  }
0x52: {  	_ =	swait.ge [sflag:s12], $0x9E0  }
0x53: {  	[sflag:s12] =	ssyncset.done $0x0  }
0x54: {  	[sflag:s12] =	ssyncadd.s32 $0xFFFFF620  }
0x55: {  	_ =	sfence.sel $0x180000  }
0x56: {  	[bflag:$0x0] =	sbarrier.arrive $0xFFFF  }
0x57: {  	p0 =	sne.s32 s0, $0x0;
	_ =	strace $0x9000004D  }
0x58: {  	s0 =	sadd.s32 @!p0 $0x100000, s1;
	[bflag:$0x2] =	sbarrier.arrive $0xFFFF  }
0x59: {  	[sflag:s0] =	ssyncadd.tile.s32 @!p0 $0x1;
	_ =	shalt  }
.Lfunc_end2:
_tile_overlayer_lowered:
.L_overlay_start_2:
0x5a: {  	(tag) =	ssettag $0x2  }
0x5b: {  	s0 =	rddreg [dreg:$0x0];
	s2 =	stileid.u32  }
0x5c: {  	s1 =	rddreg [dreg:$0x1];
	p0 =	sne.s32 s2, $0x0  }
0x5d: {  	s3 =	rddreg [dreg:$0x2];
	[bflag:$0x3] =	sbarrier.arrive $0xFFFF;
	s2 =	simm.s32 @!p0 $0x1C03  }
0x5e: {  	[timem:s3], [sflag:s2] =	dma.local @!p0 [hbm:s0], s1  }
0x5f: {  	s0 =	simm.s32 @!p0 $0x3  }
0x60: {  	_ =	swait.ge @!p0 [sflag:s0], s1  }
0x61: {  	s1 =	ssub.s32 @!p0 $0x0, s1;
	[sflag:s0] =	ssyncset.done @!p0 $0x0  }
0x62: {  	[sflag:s0] =	ssyncadd.s32 @!p0 s1  }
0x63: {  	[bflag:$0x3] =	sbarrier.arrive $0xFFFF  }
0x64: {  	_ =	shalt  }

// kernel: kernel.9.cloned.1.call-start
scs
__scs_entry_jumppad:
0x0: {  	(pc) =	sbr.rel $0x88, $3  }
0x1: {  	(tag) =	ssettag $0x0;
	lr =	simm.s32 $0x1  }
0x2: {  	[smem:$0x3F90] =	sst lr;
	_ =	strace $0xD0000000  }
0x3: {  	_ = 	snop  }
0x4: {  	_ = 	snop  }
0x5: {  	_ = 	snop  }
0x6: {  	_ = 	snop  }
0x7: {  	_ = 	snop  }
__scs_overlays_trampoline_lowered:
0x8: {  	[smem:$0x3F9F] =	sst s0  }
0x9: {  	[smem:$0x3FA0] =	sst s1  }
0xa: {  	[smem:$0x3FA1] =	sst s2  }
0xb: {  	[smem:$0x3FA2] =	sst s3  }
0xc: {  	[smem:$0x3FA3] =	sst s4  }
0xd: {  	[smem:$0x3FA4] =	sst s5  }
0xe: {  	[smem:$0x3FA5] =	sst s6  }
0xf: {  	[smem:$0x3FA6] =	sst s7  }
0x10: {  	[smem:$0x3FA7] =	sst s8  }
0x11: {  	[smem:$0x3FA8] =	sst s9;
	s0 =	simm.s32 @!p0 $0x0  }
0x12: {  	s1 =	sld [smem:$0x3F8E];
	s0 =	simm.s32 @p0 $0x1  }
0x13: {  	[smem:$0x3FA9] =	sst s0;
	s0 =	simm.s32 @!p1 $0x0  }
0x14: {  	s2 =	sld [smem:$0x3F8D];
	s0 =	simm.s32 @p1 $0x1  }
0x15: {  	[smem:$0x3FAA] =	sst s0;
	s0 =	simm.s32 @!p2 $0x0  }
0x16: {  	s3 =	sld [smem:$0x3FDB];
	s0 =	simm.s32 @p2 $0x1  }
0x17: {  	s4 =	simm.s32 $0x1BF5;
	[smem:$0x3FAC] =	sst s0  }
0x18: {  	s0 =	sld [smem:$0x3F8F];
	_ =	swait.ge [sflag:s4], $0x0  }
0x19: {  	s7 =	sld [smem:$0x3F90]  }
0x1a: {  	s8 =	sadd.s32 $0xFFFFE003, lr  }
0x1b: {  	s9 =	sadd.s32 $0xFFFFFEF7, lr;
	s5 =	simm.s32 $0xFFFFFFFF;
	p2 =	slt.u32 s8, $0xFFFFF086  }
0x1c: {  	p1 =	slt.u32 s9, $0xF7A;
	s5 =	simm.s32 @!p2 $0x0  }
0x1d: {  	s5 =	simm.s32 @p1 $0x1;
	p0 =	seq.s32 s7, s2  }
0x1e: {  	s7 =	smul.u32 @!p0 $0xF7A, s2;
	p2 =	seq.s32 @!p0 s5, $0x0  }
0x1f: {  	s9 =	smul.u32 $0xF7A, s1;
	s8 =	simm.s32 @!p0 $0x1BF5;
	p2 =	por !p2, p0  }
0x20: {  	[sflag:s8] =	ssyncset.s32 @!p0 $0xFFFFF086;
	s6 =	sadd.s32 @!p0 s3, s7;
	s7 =	simm.s32 @!p0 $0x108  }
0x21: {  	s3 =	sadd.s32 s3, s9;
	s6 =	sadd.s32 @!p0 $0x88, s6;
	s7 =	simm.s32 @p2 $0x1082  }
0x22: {  	[simem:s7], [sflag:s8] =	dma.local @!p0 [hbm:s6], $0xF7A  }
0x23: {  	s9 =	sor.u32 $0xD0000000, s2;
	s6 =	simm.s32 $0x108;
	_ =	swait.ge @!p0 [sflag:s8], $0x0  }
0x24: {  	s3 =	sadd.s32 $0x88, s3;
	s6 =	simm.s32 @!p1 $0x1082;
	[sflag:s4] =	ssyncset.s32 $0xFFFFF086  }
0x25: {  	[simem:s6], [sflag:s4] =	dma.local [hbm:s3], $0xF7A  }
0x26: {  	[smem:$0x3F90] =	sst s1;
	(tag) =	ssettag s2;
	_ =	strace s9  }
0x27: {  	s1 =	sld [smem:$0x3FA0]  }
0x28: {  	s2 =	sld [smem:$0x3FA1]  }
0x29: {  	s4 =	sld [smem:$0x3FA3]  }
0x2a: {  	p0 =	seq.s32 s5, $0x0;
	s5 =	sld [smem:$0x3FA4]  }
0x2b: {  	s6 =	sld [smem:$0x3FA5]  }
0x2c: {  	s7 =	sld [smem:$0x3FA6]  }
0x2d: {  	s3 =	simm.s32 $0x108;
	s8 =	sld [smem:$0x3FA7]  }
0x2e: {  	s3 =	simm.s32 @!p0 $0x1082;
	s9 =	sld [smem:$0x3FA8]  }
0x2f: {  	lr =	sadd.s32 s0, s3;
	s0 =	sld [smem:$0x3F9F]  }
0x30: {  	s3 =	sld [smem:$0x3FA2]  }
0x31: {  	[smem:$0x3FAB] =	sst s10  }
0x32: {  	s10 =	sld [smem:$0x3FA9];
	_ =	sdelay $0x3  }
0x33: {  	p0 =	seq.s32 s10, $0x1;
	s10 =	sld [smem:$0x3FAB];
	_ =	sdelay $0x3  }
0x34: {  	[smem:$0x3FAB] =	sst s10  }
0x35: {  	s10 =	sld [smem:$0x3FAA];
	_ =	sdelay $0x3  }
0x36: {  	p1 =	seq.s32 s10, $0x1;
	s10 =	sld [smem:$0x3FAB];
	_ =	sdelay $0x3  }
0x37: {  	[smem:$0x3FAB] =	sst s10  }
0x38: {  	s10 =	sld [smem:$0x3FAC]  }
0x39: {  	_ = 	snop;
	(pc) =	sbr.ind lr, $3  }
0x3a: {  	_ = 	snop  }
0x3b: {  	_ = 	snop  }
0x3c: {  	p2 =	seq.s32 s10, $0x1;
	s10 =	sld [smem:$0x3FAB]  }
0x3d: {  	_ =	shalt  }
0x3e: {  	_ =	shalt  }
0x3f: {  	_ =	shalt  }
0x40: {  	_ =	shalt  }
0x41: {  	_ =	shalt  }
0x42: {  	_ =	shalt  }
0x43: {  	_ =	shalt  }
0x44: {  	_ =	shalt  }
0x45: {  	_ =	shalt  }
0x46: {  	_ =	shalt  }
0x47: {  	_ =	shalt  }
0x48: {  	_ =	shalt  }
0x49: {  	_ =	shalt  }
0x4a: {  	_ =	shalt  }
0x4b: {  	_ =	shalt  }
0x4c: {  	_ =	shalt  }
0x4d: {  	_ =	shalt  }
0x4e: {  	_ =	shalt  }
0x4f: {  	_ =	shalt  }
0x50: {  	_ =	shalt  }
0x51: {  	_ =	shalt  }
0x52: {  	_ =	shalt  }
0x53: {  	_ =	shalt  }
0x54: {  	_ =	shalt  }
0x55: {  	_ =	shalt  }
0x56: {  	_ =	shalt  }
0x57: {  	_ =	shalt  }
0x58: {  	_ =	shalt  }
0x59: {  	_ =	shalt  }
0x5a: {  	_ =	shalt  }
0x5b: {  	_ =	shalt  }
0x5c: {  	_ =	shalt  }
0x5d: {  	_ =	shalt  }
0x5e: {  	_ =	shalt  }
0x5f: {  	_ =	shalt  }
0x60: {  	_ =	shalt  }
0x61: {  	_ =	shalt  }
0x62: {  	_ =	shalt  }
0x63: {  	_ =	shalt  }
0x64: {  	_ =	shalt  }
0x65: {  	_ =	shalt  }
0x66: {  	_ =	shalt  }
0x67: {  	_ =	shalt  }
0x68: {  	_ =	shalt  }
0x69: {  	_ =	shalt  }
0x6a: {  	_ =	shalt  }
0x6b: {  	_ =	shalt  }
0x6c: {  	_ =	shalt  }
0x6d: {  	_ =	shalt  }
0x6e: {  	_ =	shalt  }
0x6f: {  	_ =	shalt  }
0x70: {  	_ =	shalt  }
0x71: {  	_ =	shalt  }
0x72: {  	_ =	shalt  }
0x73: {  	_ =	shalt  }
0x74: {  	_ =	shalt  }
0x75: {  	_ =	shalt  }
0x76: {  	_ =	shalt  }
0x77: {  	_ =	shalt  }
0x78: {  	_ =	shalt  }
0x79: {  	_ =	shalt  }
0x7a: {  	_ =	shalt  }
0x7b: {  	_ =	shalt  }
0x7c: {  	_ =	shalt  }
0x7d: {  	_ =	shalt  }
0x7e: {  	_ =	shalt  }
0x7f: {  	_ =	shalt  }
0x80: {  	_ =	shalt  }
0x81: {  	_ =	shalt  }
0x82: {  	_ =	shalt  }
0x83: {  	_ =	shalt  }
0x84: {  	_ =	shalt  }
0x85: {  	_ =	shalt  }
0x86: {  	_ =	shalt  }
0x87: {  	_ =	shalt  }
.Lfunc_end0:
.L_simem_size_0:
called_computation_lowered:
.L_overlay_start_0:
0x88: {  	s2 =	sld [smem:$0x3FD9]  }
0x89: {  	s3 =	sld [smem:$0x3FFE];
	_ =	sdelay $0x1  }
0x8a: {  	s1 =	srdreg.scid  }
0x8b: {  	s0 =	sand.u32 $0x1, s1  }
0x8c: {  	s16 =	sshll.u32 s0, $0xA;
	s2 =	sadd.s32 s3, s2  }
0x8d: {  	s2 =	sadd.s32 s2, s16  }
0x8e: {  	[smem:$0x3FB7] =	sst s2  }
0x8f: {  	_ = 	snop  }
0x90: {  	(tm) =	ssettm $0x1  }
0x91: {  	s17 =	sld [smem:$0x3FFB];
	_ =	sdelay $0x3  }
0x92: {  	_ =	strace s17  }
0x93: {  	s2 =	sld [smem:$0x3FFC];
	_ =	sdelay $0x3  }
0x94: {  	_ =	strace s2  }
0x95: {  	s2 =	sld [smem:$0x3FFD];
	_ =	sdelay $0x3  }
0x96: {  	_ =	strace s2  }
0x97: {  	_ =	strace $0x8FFFFFFF  }
0x98: {  	s18 =	sld [smem:$0x3FDB];
	_ =	sdelay $0x1  }
0x99: {  	s19 =	simm.s32 $_scs_section_size  }
0x9a: {  	s4 =	simm.s32 $_size__tile_overlayer_lowered;
	s5 =	simm.s32 $_tile_overlayer_lowered  }
0x9b: {  	s22 =	simm.s32 $0x1BFF;
	s21 =	sshll.u32 s5, $0x1;
	s2 =	sadd.s32 s19, s18  }
0x9c: {  	s6 =	simm.s32 $0x0;
	s20 =	sshll.u32 s4, $0x1;
	s4 =	sadd.s32 s21, s2  }
0x9d: {  	[timem:s6], [sflag:s22] =	dma.local [hbm:s4], s20  }
0x9e: {  	_ =	swait.ge [sflag:s22], s20  }
0x9f: {  	s3 =	ssub.s32 $0x0, s20;
	[sflag:s22] =	ssyncset.done $0x0  }
0xa0: {  	[sflag:s22] =	ssyncadd.s32 s3;
	_ =	sdelay $0x1  }
0xa1: {  	s23 =	simm.s32 $0x1B8B  }
0xa2: {  	_ =	swait.ge [sflag:s23], $0x1  }
0xa3: {  	[sflag:s23] =	ssyncset.done $0x0  }
0xa4: {  	s25 =	simm.s32 $0x1B8E;
	s24 =	sld [smem:$0x3FFE];
	[sflag:s23] =	ssyncadd.s32 $0xFFFFFFFF  }
0xa5: {  	s26 =	simm.s32 $execute0_lowered;
	[smem:$0x3FD2] =	sst s25  }
0xa6: {  	s4 =	sshll.u32 s26, $0x1;
	_ =	strace $0x80000046;
	[dreg:$0x1] =	wrdreg $0xFFFFFFFF  }
0xa7: {  	s28 =	simm.s32 $_size_execute0_lowered;
	s2 =	sadd.s32 s2, s4;
	[dreg:$0x0] =	wrdreg $0x0  }
0xa8: {  	s4 =	sshll.u32 s28, $0x1;
	[dreg:$0x2] =	wrdreg s2  }
0xa9: {  	[dreg:$0x3] =	wrdreg s4  }
0xaa: {  	[dreg:$0x4] =	wrdreg $0xC0  }
0xab: {  	_ =	task [dreg:s6], $0x5FFFF  }
0xac: {  	[dreg:$0x1] =	wrdreg $0xFFFFFFFF  }
0xad: {  	[dreg:$0x0] =	wrdreg $0x60  }
0xae: {  	[dreg:$0x2] =	wrdreg s24  }
0xaf: {  	[dreg:$0x3] =	wrdreg $0x70000  }
0xb0: {  	[dreg:$0x4] =	wrdreg $0x9  }
0xb1: {  	_ =	task.clear_ibuf [dreg:s6], $0x5FFFF;
	_ =	strace $0x90000046  }
0xb2: {  	s29 =	simm.s32 $0x9;
	_ =	strace $0x80000048  }
0xb3: {  	_ =	swait.ge [sflag:s29], $0x1  }
0xb4: {  	[sflag:s29] =	ssyncadd.s32 $0xFFFFFFFF  }
0xb5: {  	_ =	strace $0x90000048  }
0xb6: {  	_ =	sfence  }
0xb7: {  	s30 =	sld [smem:$0x0];
	_ =	sdelay $0x2  }
0xb8: {  	s31 =	sshll.u32 s1, $0xD;
	s1 =	sshrl.u32 s1, $0x2  }
0xb9: {  	s3 =	sand.u32 $0x4000, s31;
	s1 =	sadd.s32 s1, s30  }
0xba: {  	s0 =	sor.u32 s3, s0;
	s1 =	sshll.u32 s1, $0x11  }
0xbb: {  	s0 =	sor.u32 s1, s0  }
0xbc: {  	s0 =	sadd.s32 $0x8F2B, s0  }
0xbd: {  	[sflag:s0] =	ssyncadd.remote.s32 $0x1  }
0xbe: {  	_ =	sfence.sel $0xFFFF  }
0xbf: {  	[dreg:$0x0] =	wrdreg $0xFFFFFFFF;
	(pc) =	sbr.abs _section_cstart, $3  }
0xc0: {  	[dreg:$0x1] =	wrdreg $0xFFFFFFFF  }
0xc1: {  	_ =	task.clear_ibuf [dreg:s6], $0x2FFFF;
	_ =	strace $0x9FFFFFFF  }
0xc2: {  	(tm) =	ssettm $0x7FFFFFFF  }
0xc3: {  	_ =	shalt  }
tec
execute0_lowered:
.L_overlay_start_1:
0x0: {  	(tag) =	ssettag $0x1  }
0x1: {  	s0 =	srdreg.scid;
	s6 =	rddreg [dreg:$0x0]  }
0x2: {  	s2 =	rddreg [dreg:$0x1];
	s3 =	simm.s32 $0x0;
	s14 =	simm.s32 $0x80  }
0x3: {  	s15 =	simm.s32 $0x5000;
	s16 =	simm.s32 $0x6000;
	s17 =	simm.s32 $0x1  }
0x4: {  	s18 =	simm.s32 $0x2;
	s5 =	sand.u32 $0x1, s0;
	s0 =	stileid.u32  }
0x5: {  	s19 =	simm.s32 $0x0;
	[smem:$0x7FF] =	sst s3;
	s8 =	smul.u32 $0x4F00, s0  }
0x6: {  	s4 =	sadd.s32 $0x2800, s6;
	s1 =	sshll.u32 s5, $0x4;
	s9 =	smul.u32 $0x4F000, s5  }
0x7: {  	s5 =	ssub.s32 $0x2, s5;
	s31 =	sshll.u32 s0, $0x6;
	s1 =	sor.u32 s0, s1  }
0x8: {  	s30 =	sshrl.u32 s5, $0x1;
	s7 =	smul.u32 $0x500, s1;
	s1 =	rddreg [dreg:$0x2]  }
0x9: {  	_ =	strace $0x80000047;
	s28 =	sadd.s32 s8, s9;
	s29 =	sshrl.u32 s8, $0x3  }
0xa: {  	s12 =	ssub.s32 s5, s30;
	s13 =	sadd.s32 s8, s2;
	s9 =	sadd.s32 s29, s6  }
0xb: {  	s10 =	sadd.s32 s7, s6;
	s7 =	sshrl.u32 s28, $0x3;
	s5 =	sadd.s32 $0x20600, s9  }
0xc: {  	s11 =	sadd.s32 s7, s6;
	s6 =	sor.u32 $0x1C03, s31;
	s7 =	sadd.s32 $0x16600, s10  }
0xd: {  	s8 =	sadd.s32 $0xC600, s10;
	s10 =	smax.u32 s12, $0x1;
	s12 =	simm.s32 $0x3  }
0xe: {  	s9 =	sadd.s32 $0x2A400, s11;
	s11 =	sshrl.u32 s13, $0x3;
	s13 =	simm.s32 $0x2800  }
.LBB2_1:
0xf: {  	[spmem:s11], [sflag:s6] =	dma.local [hbm:s5], $0x9E0  }
0x10: {  	_ =	swait.ge [sflag:s12], $0x9E0  }
0x11: {  	[sflag:s12] =	ssyncset.done $0x0  }
0x12: {  	[sflag:s12] =	ssyncadd.s32 $0xFFFFF620  }
0x13: {  	[tilespmem:s3], [sflag:$0x3] =	stream.linear.gather [hbm4b:s7+s3], $0x2800, $0x38;
	[tilespmem:$0xBF00] =	vst v63  }
0x14: {  	_ =	swait.ge [sflag:s12], $0x2800  }
0x15: {  	[sflag:s12] =	ssyncset.done $0x0  }
0x16: {  	[sflag:s12] =	ssyncadd.s32 $0xFFFFD800  }
0x17: {  	[tilespmem:s13], [sflag:$0x3] =	stream.linear.gather [hbm4b:s8+s3], $0x2800, $0x38;
	[tilespmem:$0xBF00] =	vst v63  }
0x18: {  	_ =	swait.ge [sflag:s12], $0x2800  }
0x19: {  	[sflag:s12] =	ssyncset.done $0x0  }
0x1a: {  	[sflag:s12] =	ssyncadd.s32 $0xFFFFD800  }
0x1b: {  	s20 =	simm.s32 $0x0;
	[bflag:$0x0] =	sbarrier.arrive $0xFFFF  }
0x1c: {  	[tilespmem:s15], [sflag:$0x1] =	stream.indirect.gather [hbm4b:s4+s14], $0x20, s20, s14, $0xb8;
	[tilespmem:$0xBF00] =	vst v63  }
0x1d: {  	s29 =	simm.s32 $0x80  }
0x1e: {  	[tilespmem:s16], [sflag:$0x2] =	stream.indirect.gather [hbm4b:s4+s14], $0x20, s29, s14, $0xb8;
	[tilespmem:$0xBF00] =	vst v63  }
0x1f: {  	_ =	swait.ge [sflag:s17], $0x1000  }
0x20: {  	[sflag:s17] =	ssyncset.done $0x0  }
0x21: {  	s30 =	simm.s32 $0x2800;
	[sflag:s17] =	ssyncadd.s32 $0xFFFFF000  }
0x22: {  	[spmem:s2] =	stream.indirect.scatter.add.f32 [tilespmem:s15], [sflag:$0x3], $0x20, s30, s14, $0xb8;
	[tilespmem:$0xBF00] =	vst v63  }
0x23: {  	_ =	swait.ge [sflag:s12], $0x1000  }
0x24: {  	[sflag:s12] =	ssyncset.done $0x0  }
0x25: {  	[sflag:s12] =	ssyncadd.s32 $0xFFFFF000  }
0x26: {  	_ =	swait.ge [sflag:s18], $0x1000  }
0x27: {  	[sflag:s18] =	ssyncset.done $0x0  }
0x28: {  	s31 =	simm.s32 $0x2880;
	[sflag:s18] =	ssyncadd.s32 $0xFFFFF000  }
0x29: {  	[spmem:s2] =	stream.indirect.scatter.add.f32 [tilespmem:s16], [sflag:$0x3], $0x20, s31, s14, $0xb8;
	[tilespmem:$0xBF00] =	vst v63  }
0x2a: {  	_ =	swait.ge [sflag:s12], $0x1000  }
0x2b: {  	s21 =	simm.s32 $0x800;
	s20 =	simm.s32 $0x400;
	[sflag:s12] =	ssyncset.done $0x0  }
.LBB2_2:
0x2c: {  	s22 =	sshra.s32 s20, $0x2  }
0x2d: {  	[sflag:s12] =	ssyncadd.s32 $0xFFFFF000;
	s20 =	smov.u32 s21;
	s23 =	sadd.s32 $0x400, s21  }
0x2e: {  	[tilespmem:s15], [sflag:$0x1] =	stream.indirect.gather [hbm4b:s4+s14], $0x20, s22, s14, $0xb8;
	[tilespmem:$0xBF00] =	vst v63  }
0x2f: {  	p0 =	sne.s32 s21, $0x9C00;
	s21 =	sadd.s32 $0x80, s22  }
0x30: {  	[tilespmem:s16], [sflag:$0x2] =	stream.indirect.gather [hbm4b:s4+s14], $0x20, s21, s14, $0xb8;
	[tilespmem:$0xBF00] =	vst v63  }
0x31: {  	_ =	swait.ge [sflag:s17], $0x1000  }
0x32: {  	[sflag:s17] =	ssyncset.done $0x0  }
0x33: {  	s21 =	sadd.s32 $0x2800, s22;
	[sflag:s17] =	ssyncadd.s32 $0xFFFFF000  }
0x34: {  	[spmem:s2] =	stream.indirect.scatter.add.f32 [tilespmem:s15], [sflag:$0x3], $0x20, s21, s14, $0xb8;
	[tilespmem:$0xBF00] =	vst v63  }
0x35: {  	_ =	swait.ge [sflag:s12], $0x1000  }
0x36: {  	[sflag:s12] =	ssyncset.done $0x0  }
0x37: {  	[sflag:s12] =	ssyncadd.s32 $0xFFFFF000  }
0x38: {  	_ =	swait.ge [sflag:s18], $0x1000  }
.Ltmp0:
0x39: {  	[sflag:s18] =	ssyncset.done $0x0;
	(pc) =	sbr.rel @p0 .LBB2_2-.Ltmp0, $4  }
0x3a: {  	s21 =	sadd.s32 $0x2880, s22;
	[sflag:s18] =	ssyncadd.s32 $0xFFFFF000  }
0x3b: {  	[spmem:s2] =	stream.indirect.scatter.add.f32 [tilespmem:s16], [sflag:$0x3], $0x20, s21, s14, $0xb8;
	[tilespmem:$0xBF00] =	vst v63  }
0x3c: {  	_ =	swait.ge [sflag:s12], $0x1000  }
0x3d: {  	s21 =	smov.u32 s23;
	[sflag:s12] =	ssyncset.done $0x0  }
0x3e: {  	s20 =	sshra.s32 s20, $0x2;
	[sflag:s12] =	ssyncadd.s32 $0xFFFFF000  }
0x3f: {  	[tilespmem:s15], [sflag:$0x1] =	stream.indirect.gather [hbm4b:s4+s14], $0x20, s20, s14, $0xb8;
	[tilespmem:$0xBF00] =	vst v63  }
0x40: {  	s21 =	sadd.s32 $0x80, s20  }
0x41: {  	[tilespmem:s16], [sflag:$0x2] =	stream.indirect.gather [hbm4b:s4+s14], $0x20, s21, s14, $0xb8;
	[tilespmem:$0xBF00] =	vst v63  }
0x42: {  	_ =	swait.ge [sflag:s17], $0x1000  }
0x43: {  	[sflag:s17] =	ssyncset.done $0x0  }
0x44: {  	s31 =	sadd.s32 $0x2800, s20;
	[sflag:s17] =	ssyncadd.s32 $0xFFFFF000  }
0x45: {  	[spmem:s2] =	stream.indirect.scatter.add.f32 [tilespmem:s15], [sflag:$0x3], $0x20, s31, s14, $0xb8;
	[tilespmem:$0xBF00] =	vst v63  }
0x46: {  	_ =	swait.ge [sflag:s12], $0x1000  }
0x47: {  	[sflag:s12] =	ssyncset.done $0x0  }
0x48: {  	[sflag:s12] =	ssyncadd.s32 $0xFFFFF000  }
0x49: {  	_ =	swait.ge [sflag:s18], $0x1000  }
0x4a: {  	[sflag:s18] =	ssyncset.done $0x0  }
0x4b: {  	s20 =	sadd.s32 $0x2880, s20;
	[sflag:s18] =	ssyncadd.s32 $0xFFFFF000  }
0x4c: {  	[spmem:s2] =	stream.indirect.scatter.add.f32 [tilespmem:s16], [sflag:$0x3], $0x20, s20, s14, $0xb8;
	[tilespmem:$0xBF00] =	vst v63  }
0x4d: {  	_ =	swait.ge [sflag:s12], $0x1000  }
0x4e: {  	s19 =	sadd.s32 $0x1, s19;
	[sflag:s12] =	ssyncset.done $0x0  }
0x4f: {  	p0 =	sne.s32 s19, s10;
	[sflag:s12] =	ssyncadd.s32 $0xFFFFF000  }
.Ltmp1:
0x50: {  	[bflag:$0x0] =	sbarrier.arrive $0xFFFF;
	(pc) =	sbr.rel @p0 .LBB2_1-.Ltmp1, $4  }
0x51: {  	[hbm:s9], [sflag:s6] =	dma.local [spmem:s11], $0x9E0  }
0x52: {  	_ =	swait.ge [sflag:s12], $0x9E0  }
0x53: {  	[sflag:s12] =	ssyncset.done $0x0  }
0x54: {  	[sflag:s12] =	ssyncadd.s32 $0xFFFFF620  }
0x55: {  	_ =	sfence.sel $0x180000  }
0x56: {  	[bflag:$0x0] =	sbarrier.arrive $0xFFFF  }
0x57: {  	p0 =	sne.s32 s0, $0x0;
	_ =	strace $0x90000047  }
0x58: {  	s0 =	sadd.s32 @!p0 $0x100000, s1;
	[bflag:$0x2] =	sbarrier.arrive $0xFFFF  }
0x59: {  	[sflag:s0] =	ssyncadd.tile.s32 @!p0 $0x1;
	_ =	shalt  }
.Lfunc_end2:
_tile_overlayer_lowered:
.L_overlay_start_2:
0x5a: {  	(tag) =	ssettag $0x2  }
0x5b: {  	s0 =	rddreg [dreg:$0x0];
	s2 =	stileid.u32  }
0x5c: {  	s1 =	rddreg [dreg:$0x1];
	p0 =	sne.s32 s2, $0x0  }
0x5d: {  	s3 =	rddreg [dreg:$0x2];
	[bflag:$0x3] =	sbarrier.arrive $0xFFFF;
	s2 =	simm.s32 @!p0 $0x1C03  }
0x5e: {  	[timem:s3], [sflag:s2] =	dma.local @!p0 [hbm:s0], s1  }
0x5f: {  	s0 =	simm.s32 @!p0 $0x3  }
0x60: {  	_ =	swait.ge @!p0 [sflag:s0], s1  }
0x61: {  	s1 =	ssub.s32 @!p0 $0x0, s1;
	[sflag:s0] =	ssyncset.done @!p0 $0x0  }
0x62: {  	[sflag:s0] =	ssyncadd.s32 @!p0 s1  }
0x63: {  	[bflag:$0x3] =	sbarrier.arrive $0xFFFF  }
0x64: {  	_ =	shalt  }

</sc_bundles>
